<compile_context>
chip_gen: v7x
topology: tpu7x:2x2x1
jax: 0.10.2.dev20260603
libtpu: 0.0.44.dev20260713+nightly
codegen_flags: <defaults>
</compile_context>

<pallas_src>
import functools

import jax
import jax.numpy as jnp
from jax import lax
from jax.experimental import pallas as pl
from jax.experimental.pallas import tpu as pltpu
from jax.experimental.pallas import tpu_sc as plsc

NC = 2
NS = 16
NW = NC * NS
LANES = 16
GB = 80


def _mm_body(x_ref, w_ref, o_ref):
    o_ref[...] = jnp.dot(x_ref[...], w_ref[...],
                         preferred_element_type=jnp.float32)


def _add_body(a_ref, b_ref, o_ref):
    o_ref[...] = a_ref[...] + b_ref[...]


def _sc_aggregate(h, src2, dst2, adj2, n, d):
    nst, sch = src2.shape[1], src2.shape[2]
    ew = nst * sch * GB
    rpt = (n // NS) // 8 * 8
    rem = n - NS * rpt
    zr = 16
    mesh = plsc.VectorSubcoreMesh(core_axis_name="c", subcore_axis_name="s")

    @functools.partial(
        pl.kernel,
        out_type=jax.ShapeDtypeStruct((NC, n, d), jnp.float32),
        mesh=mesh,
        scratch_types=[
            pltpu.VMEM_SHARED((n, d), jnp.float32),
            pltpu.VMEM((sch, GB), jnp.int32),
            pltpu.VMEM((sch, GB), jnp.int32),
            pltpu.VMEM((ew,), jnp.float32),
            pltpu.VMEM((GB, d), jnp.float32),
            pltpu.VMEM((GB, d), jnp.float32),
            pltpu.VMEM((max(zr, rem), d), jnp.float32),
            pltpu.SemaphoreType.DMA,
            pltpu.SemaphoreType.DMA,
        ],
    )
    def k(h_hbm, src_hbm, dst_hbm, adj_hbm, out_hbm,
          acc, srcv, dstv, adjv, rows0, rows1, zbuf, g0, g1):
        c = lax.axis_index("c")
        s = lax.axis_index("s")
        wid = s * NC + c
        bufs = (rows0, rows1)
        gsems = (g0, g1)

        def zrow(i, _):
            for j in range(d // LANES):
                zbuf[i, pl.ds(j * LANES, LANES)] = jnp.zeros(
                    (LANES,), jnp.float32)
            return 0
        lax.fori_loop(0, max(zr, rem), zrow, 0)
        my_base = pl.multiple_of(s * rpt, 8)

        def zcopy(r, _):
            off = pl.multiple_of(s * rpt + r * zr, 8)
            pltpu.sync_copy(zbuf, acc.at[pl.ds(off, zr)])
            return 0
        lax.fori_loop(0, rpt // zr, zcopy, 0)
        if rem:
            @pl.when(s == NS - 1)
            def _():
                pltpu.sync_copy(zbuf.at[pl.ds(0, rem)],
                                acc.at[pl.ds(NS * rpt, rem)])
        plsc.subcore_barrier()

        pltpu.sync_copy(adj_hbm.at[wid], adjv)

        dn = lax.GatherDimensionNumbers(
            offset_dims=(), collapsed_slice_dims=(0,), start_index_map=(0,))

        def scale(buf, g):
            def grp(q, _):
                av = adjv[pl.ds(g * GB + q * LANES, LANES)]

                def row(t, _):
                    e = q * LANES + t
                    sc = lax.gather(
                        av, jnp.full((LANES, 1), t, jnp.int32), dn, (1,),
                        mode=lax.GatherScatterMode.PROMISE_IN_BOUNDS)
                    for j in range(d // LANES):
                        sl = pl.ds(j * LANES, LANES)
                        buf[e, sl] = buf[e, sl] * sc
                    return 0
                lax.fori_loop(0, LANES, row, 0)
                return 0
            lax.fori_loop(0, GB // LANES, grp, 0)

        def stage(st, _):
            pltpu.sync_copy(src_hbm.at[wid, st], srcv)
            pltpu.sync_copy(dst_hbm.at[wid, st], dstv)
            pltpu.async_copy(h_hbm.at[srcv.at[0]], bufs[0], gsems[0]).wait()

            def pair(p, _):
                for b in range(2):
                    u = p * 2 + b
                    nb = 1 - b
                    cp = pltpu.async_copy(h_hbm.at[srcv.at[u + 1]],
                                          bufs[nb], gsems[nb])
                    scale(bufs[b], st * sch + u)
                    cp.wait()
                    pltpu.sync_copy(bufs[b], acc.at[dstv.at[u]], add=True)
                return 0
            lax.fori_loop(0, (sch - 1) // 2, pair, 0)
            scale(bufs[0], st * sch + sch - 1)
            pltpu.sync_copy(bufs[0], acc.at[dstv.at[sch - 1]], add=True)
            return 0
        lax.fori_loop(0, nst, stage, 0)

        plsc.subcore_barrier()
        pltpu.sync_copy(acc.at[pl.ds(my_base, rpt)],
                        out_hbm.at[c, pl.ds(my_base, rpt)])
        if rem:
            @pl.when(s == NS - 1)
            def _():
                pltpu.sync_copy(acc.at[pl.ds(NS * rpt, rem)],
                                out_hbm.at[c, pl.ds(NS * rpt, rem)])

    return k(h, src2, dst2, adj2)


def kernel(x, edge_index, adj_values, w):
    n, d_in = x.shape
    d_out = w.shape[1]
    e = adj_values.shape[0]

    bm = 2000
    nb = n // bm
    h = pl.pallas_call(
        _mm_body,
        grid=(nb,),
        in_specs=[
            pl.BlockSpec((bm, d_in), lambda i: (i, 0)),
            pl.BlockSpec((d_in, d_out), lambda i: (0, 0)),
        ],
        out_specs=pl.BlockSpec((bm, d_out), lambda i: (i, 0)),
        out_shape=jax.ShapeDtypeStruct((n, d_out), jnp.float32),
    )(x, w)

    dst = edge_index[0]
    src = edge_index[1]
    span = NW * GB
    e_pad = (e + span - 1) // span * span
    if e_pad != e:
        pad = e_pad - e
        src = jnp.concatenate([src, jnp.zeros((pad,), jnp.int32)])
        dst = jnp.concatenate([dst, jnp.zeros((pad,), jnp.int32)])
        adj_values = jnp.concatenate(
            [adj_values, jnp.zeros((pad,), jnp.float32)])
    ew = e_pad // NW
    ng = ew // GB
    sch = next(c for c in (25, 20, 16, 10, 8, 5, 4, 2, 1) if ng % c == 0)
    src2 = src.reshape(NW, ng // sch, sch, GB)
    dst2 = dst.reshape(NW, ng // sch, sch, GB)
    adj2 = adj_values.reshape(NW, ew)

    partial = _sc_aggregate(h, src2, dst2, adj2, n, d_out)

    out = pl.pallas_call(
        _add_body,
        grid=(nb,),
        in_specs=[
            pl.BlockSpec((bm, d_out), lambda i: (i, 0)),
            pl.BlockSpec((bm, d_out), lambda i: (i, 0)),
        ],
        out_specs=pl.BlockSpec((bm, d_out), lambda i: (i, 0)),
        out_shape=jax.ShapeDtypeStruct((n, d_out), jnp.float32),
    )(partial[0], partial[1])
    return out

# --- scband reference (transcript-rebuilt; emitter-appended) ---
"""Pipeline reference for scband-graph-conv-87342454931924 (READ-ONLY COPY).

The authoritative reference and input builder live on the scoring server;
editing this copy changes nothing except your own understanding.
"""

import jax, jax.numpy as jnp
import numpy as np

N = 10000
E = 320000
D_IN = 128
D_OUT = 128


def setup_inputs(seed: int = 0) -> dict:
    key = jax.random.key(seed)
    k1, k2, k3, k4 = jax.random.split(key, 4)
    x = jax.random.normal(k1, (N, D_IN), dtype=jnp.float32)
    edge_index = jax.random.randint(k2, (2, E), 0, N, dtype=jnp.int32)
    adj_values = jax.random.uniform(k3, (E,), dtype=jnp.float32)
    # glorot-initialized weight, per reset_parameters()
    limit = float(np.sqrt(6.0 / (D_IN + D_OUT)))
    w = jax.random.uniform(k4, (D_IN, D_OUT), dtype=jnp.float32, minval=-limit, maxval=limit)
    return {"x": x, "edge_index": edge_index, "adj_values": adj_values, "w": w}


def reference(x, edge_index, adj_values, w):
    # h = x @ w   (dense mm path of GraphConv.forward)
    h = jnp.matmul(x, w)
    # out = sparse.mm(adj, h) where adj is COO:
    #   row index (dst) = edge_index[0], col index (src) = edge_index[1], value = adj_values
    dst = edge_index[0]
    src = edge_index[1]
    msgs = adj_values[:, None] * jnp.take(h, src, axis=0)
    out = jax.ops.segment_sum(msgs, dst, num_segments=N)
    return out

if __name__ == "__main__":
    import jax
    _d = setup_inputs()
    print(jax.jit(kernel)(*tuple(_d.values())))

</pallas_src>

<mosaic_0001>
#map = affine_map<(d0, d1) -> (0, 0)>
#map1 = affine_map<(d0, d1) -> (0, 0, 0, 0)>
#map2 = affine_map<(d0, d1) -> (0, 0, 0)>
module attributes {stable_mosaic.version = 14 : i64} {
  func.func @k(%arg0: i32, %arg1: i32, %arg2: memref<10000x128xf32, #tpu.memory_space<hbm>>, %arg3: memref<32x5x25x80xi32, #tpu.memory_space<hbm>>, %arg4: memref<32x5x25x80xi32, #tpu.memory_space<hbm>>, %arg5: memref<32x10000xf32, #tpu.memory_space<hbm>>, %arg6: memref<2x10000x128xf32, #tpu.memory_space<hbm>>, %arg7: memref<10000x128xf32, #tpu.memory_space<vmem_shared>>, %arg8: memref<25x80xi32, #tpu.memory_space<vmem>>, %arg9: memref<25x80xi32, #tpu.memory_space<vmem>>, %arg10: memref<10000xf32, #tpu.memory_space<vmem>>, %arg11: memref<80x128xf32, #tpu.memory_space<vmem>>, %arg12: memref<80x128xf32, #tpu.memory_space<vmem>>, %arg13: memref<16x128xf32, #tpu.memory_space<vmem>>, %arg14: memref<!tpu.dma_semaphore, #tpu.memory_space<semaphore_mem>>, %arg15: memref<!tpu.dma_semaphore, #tpu.memory_space<semaphore_mem>>) attributes {dimension_semantics = [#tpu.dimension_semantics<core_parallel>, #tpu.dimension_semantics<subcore_parallel>], iteration_bounds = array<i64: 2, 16>, scalar_prefetch = 0 : i64, scratch_operands = 9 : i64, tpu.core_type = #tpu.core_type<sc_vector_subcore>, window_params = [{transform_indices = #map}, {transform_indices = #map1}, {transform_indices = #map1}, {transform_indices = #map}, {transform_indices = #map2}]} {
    %mul3A = arith.constant 2 : i32
    %mul3A_0 = arith.muli %arg1, %mul3A : i32
    %add3A = arith.addi %mul3A_0, %arg0 : i32
    %scan3A = arith.constant 0 : i32
    %scan3A_1 = arith.constant 0 : i32
    %scan3A_2 = arith.constant 16 : i32
    %scan3A_3 = arith.addi %scan3A_1, %scan3A_2 : i32
    %scan3A_4 = arith.constant 1 : i32
    %scan3A_5 = scf.for %scan3A_31 = %scan3A_1 to %scan3A_3 step %scan3A_4 iter_args(%scan3A_32 = %scan3A) -> (i32)  : i32 {
      %broadcast_in_dim3A = arith.constant 0.000000e+00 : f32
      %broadcast_in_dim3A_33 = vector.broadcast %broadcast_in_dim3A : f32 to vector<16xf32>
      %swap3A = arith.index_cast %scan3A_31 : i32 to index
      %swap3A_34 = arith.constant 0 : index
      %swap3A_35 = tpu.vector_load %arg13[%swap3A, %swap3A_34] {strides = array<i32>} : memref<16x128xf32, #tpu.memory_space<vmem>>, vector<1x16xf32>,
      %swap3A_36 = vector.shape_cast %swap3A_35 : vector<1x16xf32> to vector<16xf32>
      %swap3A_37 = vector.shape_cast %broadcast_in_dim3A_33 : vector<16xf32> to vector<1x16xf32>
      tpu.vector_store %arg13[%swap3A, %swap3A_34], %swap3A_37 {strides = array<i32>} : memref<16x128xf32, #tpu.memory_space<vmem>>, vector<1x16xf32>,
      %broadcast_in_dim3A_38 = arith.constant 0.000000e+00 : f32
      %broadcast_in_dim3A_39 = vector.broadcast %broadcast_in_dim3A_38 : f32 to vector<16xf32>
      %swap3A_40 = arith.index_cast %scan3A_31 : i32 to index
      %swap3A_41 = arith.constant 16 : index
      %swap3A_42 = tpu.vector_load %arg13[%swap3A_40, %swap3A_41] {strides = array<i32>} : memref<16x128xf32, #tpu.memory_space<vmem>>, vector<1x16xf32>,
      %swap3A_43 = vector.shape_cast %swap3A_42 : vector<1x16xf32> to vector<16xf32>
      %swap3A_44 = vector.shape_cast %broadcast_in_dim3A_39 : vector<16xf32> to vector<1x16xf32>
      tpu.vector_store %arg13[%swap3A_40, %swap3A_41], %swap3A_44 {strides = array<i32>} : memref<16x128xf32, #tpu.memory_space<vmem>>, vector<1x16xf32>,
      %broadcast_in_dim3A_45 = arith.constant 0.000000e+00 : f32
      %broadcast_in_dim3A_46 = vector.broadcast %broadcast_in_dim3A_45 : f32 to vector<16xf32>
      %swap3A_47 = arith.index_cast %scan3A_31 : i32 to index
      %swap3A_48 = arith.constant 32 : index
      %swap3A_49 = tpu.vector_load %arg13[%swap3A_47, %swap3A_48] {strides = array<i32>} : memref<16x128xf32, #tpu.memory_space<vmem>>, vector<1x16xf32>,
      %swap3A_50 = vector.shape_cast %swap3A_49 : vector<1x16xf32> to vector<16xf32>
      %swap3A_51 = vector.shape_cast %broadcast_in_dim3A_46 : vector<16xf32> to vector<1x16xf32>
      tpu.vector_store %arg13[%swap3A_47, %swap3A_48], %swap3A_51 {strides = array<i32>} : memref<16x128xf32, #tpu.memory_space<vmem>>, vector<1x16xf32>,
      %broadcast_in_dim3A_52 = arith.constant 0.000000e+00 : f32
      %broadcast_in_dim3A_53 = vector.broadcast %broadcast_in_dim3A_52 : f32 to vector<16xf32>
      %swap3A_54 = arith.index_cast %scan3A_31 : i32 to index
      %swap3A_55 = arith.constant 48 : index
      %swap3A_56 = tpu.vector_load %arg13[%swap3A_54, %swap3A_55] {strides = array<i32>} : memref<16x128xf32, #tpu.memory_space<vmem>>, vector<1x16xf32>,
      %swap3A_57 = vector.shape_cast %swap3A_56 : vector<1x16xf32> to vector<16xf32>
      %swap3A_58 = vector.shape_cast %broadcast_in_dim3A_53 : vector<16xf32> to vector<1x16xf32>
      tpu.vector_store %arg13[%swap3A_54, %swap3A_55], %swap3A_58 {strides = array<i32>} : memref<16x128xf32, #tpu.memory_space<vmem>>, vector<1x16xf32>,
      %broadcast_in_dim3A_59 = arith.constant 0.000000e+00 : f32
      %broadcast_in_dim3A_60 = vector.broadcast %broadcast_in_dim3A_59 : f32 to vector<16xf32>
      %swap3A_61 = arith.index_cast %scan3A_31 : i32 to index
      %swap3A_62 = arith.constant 64 : index
      %swap3A_63 = tpu.vector_load %arg13[%swap3A_61, %swap3A_62] {strides = array<i32>} : memref<16x128xf32, #tpu.memory_space<vmem>>, vector<1x16xf32>,
      %swap3A_64 = vector.shape_cast %swap3A_63 : vector<1x16xf32> to vector<16xf32>
      %swap3A_65 = vector.shape_cast %broadcast_in_dim3A_60 : vector<16xf32> to vector<1x16xf32>
      tpu.vector_store %arg13[%swap3A_61, %swap3A_62], %swap3A_65 {strides = array<i32>} : memref<16x128xf32, #tpu.memory_space<vmem>>, vector<1x16xf32>,
      %broadcast_in_dim3A_66 = arith.constant 0.000000e+00 : f32
      %broadcast_in_dim3A_67 = vector.broadcast %broadcast_in_dim3A_66 : f32 to vector<16xf32>
      %swap3A_68 = arith.index_cast %scan3A_31 : i32 to index
      %swap3A_69 = arith.constant 80 : index
      %swap3A_70 = tpu.vector_load %arg13[%swap3A_68, %swap3A_69] {strides = array<i32>} : memref<16x128xf32, #tpu.memory_space<vmem>>, vector<1x16xf32>,
      %swap3A_71 = vector.shape_cast %swap3A_70 : vector<1x16xf32> to vector<16xf32>
      %swap3A_72 = vector.shape_cast %broadcast_in_dim3A_67 : vector<16xf32> to vector<1x16xf32>
      tpu.vector_store %arg13[%swap3A_68, %swap3A_69], %swap3A_72 {strides = array<i32>} : memref<16x128xf32, #tpu.memory_space<vmem>>, vector<1x16xf32>,
      %broadcast_in_dim3A_73 = arith.constant 0.000000e+00 : f32
      %broadcast_in_dim3A_74 = vector.broadcast %broadcast_in_dim3A_73 : f32 to vector<16xf32>
      %swap3A_75 = arith.index_cast %scan3A_31 : i32 to index
      %swap3A_76 = arith.constant 96 : index
      %swap3A_77 = tpu.vector_load %arg13[%swap3A_75, %swap3A_76] {strides = array<i32>} : memref<16x128xf32, #tpu.memory_space<vmem>>, vector<1x16xf32>,
      %swap3A_78 = vector.shape_cast %swap3A_77 : vector<1x16xf32> to vector<16xf32>
      %swap3A_79 = vector.shape_cast %broadcast_in_dim3A_74 : vector<16xf32> to vector<1x16xf32>
      tpu.vector_store %arg13[%swap3A_75, %swap3A_76], %swap3A_79 {strides = array<i32>} : memref<16x128xf32, #tpu.memory_space<vmem>>, vector<1x16xf32>,
      %broadcast_in_dim3A_80 = arith.constant 0.000000e+00 : f32
      %broadcast_in_dim3A_81 = vector.broadcast %broadcast_in_dim3A_80 : f32 to vector<16xf32>
      %swap3A_82 = arith.index_cast %scan3A_31 : i32 to index
      %swap3A_83 = arith.constant 112 : index
      %swap3A_84 = tpu.vector_load %arg13[%swap3A_82, %swap3A_83] {strides = array<i32>} : memref<16x128xf32, #tpu.memory_space<vmem>>, vector<1x16xf32>,
      %swap3A_85 = vector.shape_cast %swap3A_84 : vector<1x16xf32> to vector<16xf32>
      %swap3A_86 = vector.shape_cast %broadcast_in_dim3A_81 : vector<16xf32> to vector<1x16xf32>
      tpu.vector_store %arg13[%swap3A_82, %swap3A_83], %swap3A_86 {strides = array<i32>} : memref<16x128xf32, #tpu.memory_space<vmem>>, vector<1x16xf32>,
      %scan3A_87 = arith.constant 0 : i32
      scf.yield %scan3A_87 : i32
    }
    %scan3A_6 = arith.constant 16 : i32
    %mul3A_7 = arith.constant 624 : i32
    %mul3A_8 = arith.muli %arg1, %mul3A_7 : i32
    %multiple_of3A = tpu.assume_multiple %mul3A_8, 8 : i32
    %scan3A_9 = arith.constant 0 : i32
    %scan3A_10 = arith.constant 0 : i32
    %scan3A_11 = arith.constant 39 : i32
    %scan3A_12 = arith.addi %scan3A_10, %scan3A_11 : i32
    %scan3A_13 = arith.constant 1 : i32
    %scan3A_14 = scf.for %scan3A_31 = %scan3A_10 to %scan3A_12 step %scan3A_13 iter_args(%scan3A_32 = %scan3A_9) -> (i32)  : i32 {
      %mul3A_33 = arith.constant 624 : i32
      %mul3A_34 = arith.muli %arg1, %mul3A_33 : i32
      %mul3A_35 = arith.constant 16 : i32
      %mul3A_36 = arith.muli %scan3A_31, %mul3A_35 : i32
      %add3A_37 = arith.addi %mul3A_34, %mul3A_36 : i32
      %multiple_of3A_38 = tpu.assume_multiple %add3A_37, 8 : i32
      "tpu.region"() ({
        %run_scoped3A = tpu.sem_alloc : memref<!tpu.dma_semaphore, #tpu.memory_space<semaphore_mem>>
        %dma_start3A = arith.constant 0 : i32
        %dma_start3A_40 = tpu.memref_slice %arg7[%multiple_of3A_38, %dma_start3A] : memref<10000x128xf32, #tpu.memory_space<vmem_shared>> -> memref<16x128xf32, #tpu.memory_space<vmem_shared>>
        %dma_start3A_41 = arith.constant 0 : i32
        %dma_start3A_42 = tpu.memref_slice %arg7[%multiple_of3A_38, %dma_start3A_41] : memref<10000x128xf32, #tpu.memory_space<vmem_shared>> -> memref<16x128xf32, #tpu.memory_space<vmem_shared>>
        tpu.enqueue_dma source(%arg13 : memref<16x128xf32, #tpu.memory_space<vmem>>) target(%dma_start3A_42 : memref<16x128xf32, #tpu.memory_space<vmem_shared>>) target_semaphore(%run_scoped3A : memref<!tpu.dma_semaphore, #tpu.memory_space<semaphore_mem>>)
        %dma_wait3A = arith.constant 0 : i32
        %dma_wait3A_43 = tpu.memref_slice %arg7[%multiple_of3A_38, %dma_wait3A] : memref<10000x128xf32, #tpu.memory_space<vmem_shared>> -> memref<16x128xf32, #tpu.memory_space<vmem_shared>>
        %dma_wait3A_44 = arith.constant 0 : i32
        %dma_wait3A_45 = tpu.memref_slice %arg7[%multiple_of3A_38, %dma_wait3A_44] : memref<10000x128xf32, #tpu.memory_space<vmem_shared>> -> memref<16x128xf32, #tpu.memory_space<vmem_shared>>
        tpu.wait_dma2 semaphore(%run_scoped3A : memref<!tpu.dma_semaphore, #tpu.memory_space<semaphore_mem>>) src(%arg13 : memref<16x128xf32, #tpu.memory_space<vmem>>) dst(%dma_wait3A_45 : memref<16x128xf32, #tpu.memory_space<vmem_shared>>)
        tpu.yield
      }) : () -> ()
      %scan3A_39 = arith.constant 0 : i32
      scf.yield %scan3A_39 : i32
    }
    %scan3A_15 = arith.constant 39 : i32
    %eq3A = arith.constant 15 : i32
    %eq3A_16 = arith.cmpi eq, %arg1, %eq3A : i32
    %convert_element_type3A = arith.extui %eq3A_16 : i1 to i32
    %cond3A = arith.constant 0 : i32
    %cond3A_17 = arith.cmpi ne, %convert_element_type3A, %cond3A : i32
    scf.if %cond3A_17 {
      "tpu.region"() ({
        %run_scoped3A = tpu.sem_alloc : memref<!tpu.dma_semaphore, #tpu.memory_space<semaphore_mem>>
        %dma_start3A = arith.constant 0 : i32
        %dma_start3A_31 = arith.constant 0 : i32
        %dma_start3A_32 = tpu.memref_slice %arg13[%dma_start3A, %dma_start3A_31] : memref<16x128xf32, #tpu.memory_space<vmem>> -> memref<16x128xf32, #tpu.memory_space<vmem>>
        %dma_start3A_33 = arith.constant 9984 : i32
        %dma_start3A_34 = arith.constant 0 : i32
        %dma_start3A_35 = tpu.memref_slice %arg7[%dma_start3A_33, %dma_start3A_34] : memref<10000x128xf32, #tpu.memory_space<vmem_shared>> -> memref<16x128xf32, #tpu.memory_space<vmem_shared>>
        %dma_start3A_36 = arith.constant 9984 : i32
        %dma_start3A_37 = arith.constant 0 : i32
        %dma_start3A_38 = tpu.memref_slice %arg7[%dma_start3A_36, %dma_start3A_37] : memref<10000x128xf32, #tpu.memory_space<vmem_shared>> -> memref<16x128xf32, #tpu.memory_space<vmem_shared>>
        %dma_start3A_39 = arith.constant 0 : i32
        %dma_start3A_40 = arith.constant 0 : i32
        %dma_start3A_41 = tpu.memref_slice %arg13[%dma_start3A_39, %dma_start3A_40] : memref<16x128xf32, #tpu.memory_space<vmem>> -> memref<16x128xf32, #tpu.memory_space<vmem>>
        tpu.enqueue_dma source(%dma_start3A_41 : memref<16x128xf32, #tpu.memory_space<vmem>>) target(%dma_start3A_38 : memref<16x128xf32, #tpu.memory_space<vmem_shared>>) target_semaphore(%run_scoped3A : memref<!tpu.dma_semaphore, #tpu.memory_space<semaphore_mem>>)
        %dma_wait3A = arith.constant 0 : i32
        %dma_wait3A_42 = arith.constant 0 : i32
        %dma_wait3A_43 = tpu.memref_slice %arg13[%dma_wait3A, %dma_wait3A_42] : memref<16x128xf32, #tpu.memory_space<vmem>> -> memref<16x128xf32, #tpu.memory_space<vmem>>
        %dma_wait3A_44 = arith.constant 9984 : i32
        %dma_wait3A_45 = arith.constant 0 : i32
        %dma_wait3A_46 = tpu.memref_slice %arg7[%dma_wait3A_44, %dma_wait3A_45] : memref<10000x128xf32, #tpu.memory_space<vmem_shared>> -> memref<16x128xf32, #tpu.memory_space<vmem_shared>>
        %dma_wait3A_47 = arith.constant 9984 : i32
        %dma_wait3A_48 = arith.constant 0 : i32
        %dma_wait3A_49 = tpu.memref_slice %arg7[%dma_wait3A_47, %dma_wait3A_48] : memref<10000x128xf32, #tpu.memory_space<vmem_shared>> -> memref<16x128xf32, #tpu.memory_space<vmem_shared>>
        %dma_wait3A_50 = arith.constant 0 : i32
        %dma_wait3A_51 = arith.constant 0 : i32
        %dma_wait3A_52 = tpu.memref_slice %arg13[%dma_wait3A_50, %dma_wait3A_51] : memref<16x128xf32, #tpu.memory_space<vmem>> -> memref<16x128xf32, #tpu.memory_space<vmem>>
        tpu.wait_dma2 semaphore(%run_scoped3A : memref<!tpu.dma_semaphore, #tpu.memory_space<semaphore_mem>>) src(%dma_wait3A_52 : memref<16x128xf32, #tpu.memory_space<vmem>>) dst(%dma_wait3A_49 : memref<16x128xf32, #tpu.memory_space<vmem_shared>>)
        tpu.yield
      }) : () -> ()
    } else {
    }
    %barrier3A = arith.constant 0 : index
    tpu.barrier barrier_id(%barrier3A)
    "tpu.region"() ({
      %run_scoped3A = tpu.sem_alloc : memref<!tpu.dma_semaphore, #tpu.memory_space<semaphore_mem>>
      %dma_start3A = arith.constant 0 : i32
      %dma_start3A_31 = tpu.memref_slice %arg5[%add3A, %dma_start3A] : memref<32x10000xf32, #tpu.memory_space<hbm>> -> memref<1x10000xf32, #tpu.memory_space<hbm>>
      %dma_start3A_32 = tpu.memref_squeeze %dma_start3A_31 : memref<1x10000xf32, #tpu.memory_space<hbm>> -> memref<10000xf32, #tpu.memory_space<hbm>>
      %dma_start3A_33 = arith.constant 0 : i32
      %dma_start3A_34 = tpu.memref_slice %arg5[%add3A, %dma_start3A_33] : memref<32x10000xf32, #tpu.memory_space<hbm>> -> memref<1x10000xf32, #tpu.memory_space<hbm>>
      %dma_start3A_35 = tpu.memref_squeeze %dma_start3A_34 : memref<1x10000xf32, #tpu.memory_space<hbm>> -> memref<10000xf32, #tpu.memory_space<hbm>>
      tpu.enqueue_dma source(%dma_start3A_35 : memref<10000xf32, #tpu.memory_space<hbm>>) target(%arg10 : memref<10000xf32, #tpu.memory_space<vmem>>) target_semaphore(%run_scoped3A : memref<!tpu.dma_semaphore, #tpu.memory_space<semaphore_mem>>)
      %dma_wait3A = arith.constant 0 : i32
      %dma_wait3A_36 = tpu.memref_slice %arg5[%add3A, %dma_wait3A] : memref<32x10000xf32, #tpu.memory_space<hbm>> -> memref<1x10000xf32, #tpu.memory_space<hbm>>
      %dma_wait3A_37 = tpu.memref_squeeze %dma_wait3A_36 : memref<1x10000xf32, #tpu.memory_space<hbm>> -> memref<10000xf32, #tpu.memory_space<hbm>>
      %dma_wait3A_38 = arith.constant 0 : i32
      %dma_wait3A_39 = tpu.memref_slice %arg5[%add3A, %dma_wait3A_38] : memref<32x10000xf32, #tpu.memory_space<hbm>> -> memref<1x10000xf32, #tpu.memory_space<hbm>>
      %dma_wait3A_40 = tpu.memref_squeeze %dma_wait3A_39 : memref<1x10000xf32, #tpu.memory_space<hbm>> -> memref<10000xf32, #tpu.memory_space<hbm>>
      tpu.wait_dma2 semaphore(%run_scoped3A : memref<!tpu.dma_semaphore, #tpu.memory_space<semaphore_mem>>) src(%dma_wait3A_40 : memref<10000xf32, #tpu.memory_space<hbm>>) dst(%arg10 : memref<10000xf32, #tpu.memory_space<vmem>>)
      tpu.yield
    }) : () -> ()
    %scan3A_18 = arith.constant 0 : i32
    %scan3A_19 = arith.constant 0 : i32
    %scan3A_20 = arith.constant 5 : i32
    %scan3A_21 = arith.addi %scan3A_19, %scan3A_20 : i32
    %scan3A_22 = arith.constant 1 : i32
    %scan3A_23 = scf.for %scan3A_31 = %scan3A_19 to %scan3A_21 step %scan3A_22 iter_args(%scan3A_32 = %scan3A_18) -> (i32)  : i32 {
      "tpu.region"() ({
        %run_scoped3A_65 = tpu.sem_alloc : memref<!tpu.dma_semaphore, #tpu.memory_space<semaphore_mem>>
        %dma_start3A_66 = arith.constant 0 : i32
        %dma_start3A_67 = arith.constant 0 : i32
        %dma_start3A_68 = tpu.memref_slice %arg3[%add3A, %scan3A_31, %dma_start3A_66, %dma_start3A_67] : memref<32x5x25x80xi32, #tpu.memory_space<hbm>> -> memref<1x1x25x80xi32, #tpu.memory_space<hbm>>
        %dma_start3A_69 = tpu.memref_squeeze %dma_start3A_68 : memref<1x1x25x80xi32, #tpu.memory_space<hbm>> -> memref<25x80xi32, #tpu.memory_space<hbm>>
        %dma_start3A_70 = arith.constant 0 : i32
        %dma_start3A_71 = arith.constant 0 : i32
        %dma_start3A_72 = tpu.memref_slice %arg3[%add3A, %scan3A_31, %dma_start3A_70, %dma_start3A_71] : memref<32x5x25x80xi32, #tpu.memory_space<hbm>> -> memref<1x1x25x80xi32, #tpu.memory_space<hbm>>
        %dma_start3A_73 = tpu.memref_squeeze %dma_start3A_72 : memref<1x1x25x80xi32, #tpu.memory_space<hbm>> -> memref<25x80xi32, #tpu.memory_space<hbm>>
        tpu.enqueue_dma source(%dma_start3A_73 : memref<25x80xi32, #tpu.memory_space<hbm>>) target(%arg8 : memref<25x80xi32, #tpu.memory_space<vmem>>) target_semaphore(%run_scoped3A_65 : memref<!tpu.dma_semaphore, #tpu.memory_space<semaphore_mem>>)
        %dma_wait3A_74 = arith.constant 0 : i32
        %dma_wait3A_75 = arith.constant 0 : i32
        %dma_wait3A_76 = tpu.memref_slice %arg3[%add3A, %scan3A_31, %dma_wait3A_74, %dma_wait3A_75] : memref<32x5x25x80xi32, #tpu.memory_space<hbm>> -> memref<1x1x25x80xi32, #tpu.memory_space<hbm>>
        %dma_wait3A_77 = tpu.memref_squeeze %dma_wait3A_76 : memref<1x1x25x80xi32, #tpu.memory_space<hbm>> -> memref<25x80xi32, #tpu.memory_space<hbm>>
        %dma_wait3A_78 = arith.constant 0 : i32
        %dma_wait3A_79 = arith.constant 0 : i32
        %dma_wait3A_80 = tpu.memref_slice %arg3[%add3A, %scan3A_31, %dma_wait3A_78, %dma_wait3A_79] : memref<32x5x25x80xi32, #tpu.memory_space<hbm>> -> memref<1x1x25x80xi32, #tpu.memory_space<hbm>>
        %dma_wait3A_81 = tpu.memref_squeeze %dma_wait3A_80 : memref<1x1x25x80xi32, #tpu.memory_space<hbm>> -> memref<25x80xi32, #tpu.memory_space<hbm>>
        tpu.wait_dma2 semaphore(%run_scoped3A_65 : memref<!tpu.dma_semaphore, #tpu.memory_space<semaphore_mem>>) src(%dma_wait3A_81 : memref<25x80xi32, #tpu.memory_space<hbm>>) dst(%arg8 : memref<25x80xi32, #tpu.memory_space<vmem>>)
        tpu.yield
      }) : () -> ()
      "tpu.region"() ({
        %run_scoped3A_65 = tpu.sem_alloc : memref<!tpu.dma_semaphore, #tpu.memory_space<semaphore_mem>>
        %dma_start3A_66 = arith.constant 0 : i32
        %dma_start3A_67 = arith.constant 0 : i32
        %dma_start3A_68 = tpu.memref_slice %arg4[%add3A, %scan3A_31, %dma_start3A_66, %dma_start3A_67] : memref<32x5x25x80xi32, #tpu.memory_space<hbm>> -> memref<1x1x25x80xi32, #tpu.memory_space<hbm>>
        %dma_start3A_69 = tpu.memref_squeeze %dma_start3A_68 : memref<1x1x25x80xi32, #tpu.memory_space<hbm>> -> memref<25x80xi32, #tpu.memory_space<hbm>>
        %dma_start3A_70 = arith.constant 0 : i32
        %dma_start3A_71 = arith.constant 0 : i32
        %dma_start3A_72 = tpu.memref_slice %arg4[%add3A, %scan3A_31, %dma_start3A_70, %dma_start3A_71] : memref<32x5x25x80xi32, #tpu.memory_space<hbm>> -> memref<1x1x25x80xi32, #tpu.memory_space<hbm>>
        %dma_start3A_73 = tpu.memref_squeeze %dma_start3A_72 : memref<1x1x25x80xi32, #tpu.memory_space<hbm>> -> memref<25x80xi32, #tpu.memory_space<hbm>>
        tpu.enqueue_dma source(%dma_start3A_73 : memref<25x80xi32, #tpu.memory_space<hbm>>) target(%arg9 : memref<25x80xi32, #tpu.memory_space<vmem>>) target_semaphore(%run_scoped3A_65 : memref<!tpu.dma_semaphore, #tpu.memory_space<semaphore_mem>>)
        %dma_wait3A_74 = arith.constant 0 : i32
        %dma_wait3A_75 = arith.constant 0 : i32
        %dma_wait3A_76 = tpu.memref_slice %arg4[%add3A, %scan3A_31, %dma_wait3A_74, %dma_wait3A_75] : memref<32x5x25x80xi32, #tpu.memory_space<hbm>> -> memref<1x1x25x80xi32, #tpu.memory_space<hbm>>
        %dma_wait3A_77 = tpu.memref_squeeze %dma_wait3A_76 : memref<1x1x25x80xi32, #tpu.memory_space<hbm>> -> memref<25x80xi32, #tpu.memory_space<hbm>>
        %dma_wait3A_78 = arith.constant 0 : i32
        %dma_wait3A_79 = arith.constant 0 : i32
        %dma_wait3A_80 = tpu.memref_slice %arg4[%add3A, %scan3A_31, %dma_wait3A_78, %dma_wait3A_79] : memref<32x5x25x80xi32, #tpu.memory_space<hbm>> -> memref<1x1x25x80xi32, #tpu.memory_space<hbm>>
        %dma_wait3A_81 = tpu.memref_squeeze %dma_wait3A_80 : memref<1x1x25x80xi32, #tpu.memory_space<hbm>> -> memref<25x80xi32, #tpu.memory_space<hbm>>
        tpu.wait_dma2 semaphore(%run_scoped3A_65 : memref<!tpu.dma_semaphore, #tpu.memory_space<semaphore_mem>>) src(%dma_wait3A_81 : memref<25x80xi32, #tpu.memory_space<hbm>>) dst(%arg9 : memref<25x80xi32, #tpu.memory_space<vmem>>)
        tpu.yield
      }) : () -> ()
      %dma_start3A = arith.constant 0 : i32
      %dma_start3A_33 = arith.constant 0 : i32
      %dma_start3A_34 = tpu.memref_slice %arg8[%dma_start3A, %dma_start3A_33] : memref<25x80xi32, #tpu.memory_space<vmem>> -> memref<1x80xi32, #tpu.memory_space<vmem>>
      %dma_start3A_35 = tpu.memref_squeeze %dma_start3A_34 : memref<1x80xi32, #tpu.memory_space<vmem>> -> memref<80xi32, #tpu.memory_space<vmem>>
      %dma_start3A_36 = arith.constant 0 : i32
      %dma_start3A_37 = arith.constant 0 : i32
      %dma_start3A_38 = tpu.memref_slice %arg2[%dma_start3A_36, %dma_start3A_37] : memref<10000x128xf32, #tpu.memory_space<hbm>> -> memref<10000x128xf32, #tpu.memory_space<hbm>>
      tpu.enqueue_indirect_dma source(%dma_start3A_38 : memref<10000x128xf32, #tpu.memory_space<hbm>>) target(%arg11 : memref<80x128xf32, #tpu.memory_space<vmem>>) offsets(%dma_start3A_35 : memref<80xi32, #tpu.memory_space<vmem>>) semaphore(%arg14 : memref<!tpu.dma_semaphore, #tpu.memory_space<semaphore_mem>>)
      %dma_wait3A = arith.constant 0 : i32
      %dma_wait3A_39 = arith.constant 0 : i32
      %dma_wait3A_40 = tpu.memref_slice %arg8[%dma_wait3A, %dma_wait3A_39] : memref<25x80xi32, #tpu.memory_space<vmem>> -> memref<1x80xi32, #tpu.memory_space<vmem>>
      %dma_wait3A_41 = tpu.memref_squeeze %dma_wait3A_40 : memref<1x80xi32, #tpu.memory_space<vmem>> -> memref<80xi32, #tpu.memory_space<vmem>>
      %dma_wait3A_42 = arith.constant 0 : i32
      %dma_wait3A_43 = arith.constant 0 : i32
      %dma_wait3A_44 = tpu.memref_slice %arg2[%dma_wait3A_42, %dma_wait3A_43] : memref<10000x128xf32, #tpu.memory_space<hbm>> -> memref<10000x128xf32, #tpu.memory_space<hbm>>
      tpu.wait_indirect_dma semaphore(%arg14 : memref<!tpu.dma_semaphore, #tpu.memory_space<semaphore_mem>>) src(%dma_wait3A_44 : memref<10000x128xf32, #tpu.memory_space<hbm>>) dst(%arg11 : memref<80x128xf32, #tpu.memory_space<vmem>>)
      %scan3A_45 = arith.constant 0 : i32
      %scan3A_46 = arith.constant 0 : i32
      %scan3A_47 = arith.constant 12 : i32
      %scan3A_48 = arith.addi %scan3A_46, %scan3A_47 : i32
      %scan3A_49 = arith.constant 1 : i32
      %scan3A_50 = scf.for %scan3A_65 = %scan3A_46 to %scan3A_48 step %scan3A_49 iter_args(%scan3A_66 = %scan3A_45) -> (i32)  : i32 {
        %mul3A_67 = arith.constant 2 : i32
        %mul3A_68 = arith.muli %scan3A_65, %mul3A_67 : i32
        %add3A_69 = arith.constant 0 : i32
        %add3A_70 = arith.addi %mul3A_68, %add3A_69 : i32
        %add3A_71 = arith.constant 1 : i32
        %add3A_72 = arith.addi %add3A_70, %add3A_71 : i32
        %dma_start3A_73 = arith.constant 0 : i32
        %dma_start3A_74 = tpu.memref_slice %arg8[%add3A_72, %dma_start3A_73] : memref<25x80xi32, #tpu.memory_space<vmem>> -> memref<1x80xi32, #tpu.memory_space<vmem>>
        %dma_start3A_75 = tpu.memref_squeeze %dma_start3A_74 : memref<1x80xi32, #tpu.memory_space<vmem>> -> memref<80xi32, #tpu.memory_space<vmem>>
        %dma_start3A_76 = arith.constant 0 : i32
        %dma_start3A_77 = arith.constant 0 : i32
        %dma_start3A_78 = tpu.memref_slice %arg2[%dma_start3A_76, %dma_start3A_77] : memref<10000x128xf32, #tpu.memory_space<hbm>> -> memref<10000x128xf32, #tpu.memory_space<hbm>>
        tpu.enqueue_indirect_dma source(%dma_start3A_78 : memref<10000x128xf32, #tpu.memory_space<hbm>>) target(%arg12 : memref<80x128xf32, #tpu.memory_space<vmem>>) offsets(%dma_start3A_75 : memref<80xi32, #tpu.memory_space<vmem>>) semaphore(%arg15 : memref<!tpu.dma_semaphore, #tpu.memory_space<semaphore_mem>>)
        %mul3A_79 = arith.constant 25 : i32
        %mul3A_80 = arith.muli %scan3A_31, %mul3A_79 : i32
        %add3A_81 = arith.addi %mul3A_80, %add3A_70 : i32
        %scan3A_82 = arith.constant 0 : i32
        %scan3A_83 = arith.constant 0 : i32
        %scan3A_84 = arith.constant 5 : i32
        %scan3A_85 = arith.addi %scan3A_83, %scan3A_84 : i32
        %scan3A_86 = arith.constant 1 : i32
        %scan3A_87 = scf.for %scan3A_124 = %scan3A_83 to %scan3A_85 step %scan3A_86 iter_args(%scan3A_125 = %scan3A_82) -> (i32)  : i32 {
          %mul3A_126 = arith.constant 80 : i32
          %mul3A_127 = arith.muli %add3A_81, %mul3A_126 : i32
          %mul3A_128 = arith.constant 16 : i32
          %mul3A_129 = arith.muli %scan3A_124, %mul3A_128 : i32
          %add3A_130 = arith.addi %mul3A_127, %mul3A_129 : i32
          %get3A = arith.index_cast %add3A_130 : i32 to index
          %get3A_131 = tpu.vector_load %arg10[%get3A] {strides = array<i32>} : memref<10000xf32, #tpu.memory_space<vmem>>, vector<16xf32>,
          %get3A_132 = vector.shape_cast %get3A_131 : vector<16xf32> to vector<16xf32>
          %scan3A_133 = arith.constant 0 : i32
          %scan3A_134 = arith.constant 0 : i32
          %scan3A_135 = arith.constant 16 : i32
          %scan3A_136 = arith.addi %scan3A_134, %scan3A_135 : i32
          %scan3A_137 = arith.constant 1 : i32
          %scan3A_138 = scf.for %scan3A_141 = %scan3A_134 to %scan3A_136 step %scan3A_137 iter_args(%scan3A_142 = %scan3A_133) -> (i32)  : i32 {
            %mul3A_143 = arith.constant 16 : i32
            %mul3A_144 = arith.muli %scan3A_124, %mul3A_143 : i32
            %add3A_145 = arith.addi %mul3A_144, %scan3A_141 : i32
            %broadcast_in_dim3A = vector.broadcast %scan3A_141 : i32 to vector<16x1xi32>
            %gather3A = vector.shape_cast %broadcast_in_dim3A : vector<16x1xi32> to vector<16xi32>
            %gather3A_146 = tpu.dynamic_gather %get3A_132[%gather3A] in [0] : vector<16xf32>, vector<16xi32> -> vector<16xf32>
            %get3A_147 = arith.index_cast %add3A_145 : i32 to index
            %get3A_148 = arith.constant 0 : index
            %get3A_149 = tpu.vector_load %arg11[%get3A_147, %get3A_148] {strides = array<i32>} : memref<80x128xf32, #tpu.memory_space<vmem>>, vector<1x16xf32>,
            %get3A_150 = vector.shape_cast %get3A_149 : vector<1x16xf32> to vector<16xf32>
            %mul3A_151 = arith.mulf %get3A_150, %gather3A_146 : vector<16xf32>
            %swap3A = arith.index_cast %add3A_145 : i32 to index
            %swap3A_152 = arith.constant 0 : index
            %swap3A_153 = tpu.vector_load %arg11[%swap3A, %swap3A_152] {strides = array<i32>} : memref<80x128xf32, #tpu.memory_space<vmem>>, vector<1x16xf32>,
            %swap3A_154 = vector.shape_cast %swap3A_153 : vector<1x16xf32> to vector<16xf32>
            %swap3A_155 = vector.shape_cast %mul3A_151 : vector<16xf32> to vector<1x16xf32>
            tpu.vector_store %arg11[%swap3A, %swap3A_152], %swap3A_155 {strides = array<i32>} : memref<80x128xf32, #tpu.memory_space<vmem>>, vector<1x16xf32>,
            %get3A_156 = arith.index_cast %add3A_145 : i32 to index
            %get3A_157 = arith.constant 16 : index
            %get3A_158 = tpu.vector_load %arg11[%get3A_156, %get3A_157] {strides = array<i32>} : memref<80x128xf32, #tpu.memory_space<vmem>>, vector<1x16xf32>,
            %get3A_159 = vector.shape_cast %get3A_158 : vector<1x16xf32> to vector<16xf32>
            %mul3A_160 = arith.mulf %get3A_159, %gather3A_146 : vector<16xf32>
            %swap3A_161 = arith.index_cast %add3A_145 : i32 to index
            %swap3A_162 = arith.constant 16 : index
            %swap3A_163 = tpu.vector_load %arg11[%swap3A_161, %swap3A_162] {strides = array<i32>} : memref<80x128xf32, #tpu.memory_space<vmem>>, vector<1x16xf32>,
            %swap3A_164 = vector.shape_cast %swap3A_163 : vector<1x16xf32> to vector<16xf32>
            %swap3A_165 = vector.shape_cast %mul3A_160 : vector<16xf32> to vector<1x16xf32>
            tpu.vector_store %arg11[%swap3A_161, %swap3A_162], %swap3A_165 {strides = array<i32>} : memref<80x128xf32, #tpu.memory_space<vmem>>, vector<1x16xf32>,
            %get3A_166 = arith.index_cast %add3A_145 : i32 to index
            %get3A_167 = arith.constant 32 : index
            %get3A_168 = tpu.vector_load %arg11[%get3A_166, %get3A_167] {strides = array<i32>} : memref<80x128xf32, #tpu.memory_space<vmem>>, vector<1x16xf32>,
            %get3A_169 = vector.shape_cast %get3A_168 : vector<1x16xf32> to vector<16xf32>
            %mul3A_170 = arith.mulf %get3A_169, %gather3A_146 : vector<16xf32>
            %swap3A_171 = arith.index_cast %add3A_145 : i32 to index
            %swap3A_172 = arith.constant 32 : index
            %swap3A_173 = tpu.vector_load %arg11[%swap3A_171, %swap3A_172] {strides = array<i32>} : memref<80x128xf32, #tpu.memory_space<vmem>>, vector<1x16xf32>,
            %swap3A_174 = vector.shape_cast %swap3A_173 : vector<1x16xf32> to vector<16xf32>
            %swap3A_175 = vector.shape_cast %mul3A_170 : vector<16xf32> to vector<1x16xf32>
            tpu.vector_store %arg11[%swap3A_171, %swap3A_172], %swap3A_175 {strides = array<i32>} : memref<80x128xf32, #tpu.memory_space<vmem>>, vector<1x16xf32>,
            %get3A_176 = arith.index_cast %add3A_145 : i32 to index
            %get3A_177 = arith.constant 48 : index
            %get3A_178 = tpu.vector_load %arg11[%get3A_176, %get3A_177] {strides = array<i32>} : memref<80x128xf32, #tpu.memory_space<vmem>>, vector<1x16xf32>,
            %get3A_179 = vector.shape_cast %get3A_178 : vector<1x16xf32> to vector<16xf32>
            %mul3A_180 = arith.mulf %get3A_179, %gather3A_146 : vector<16xf32>
            %swap3A_181 = arith.index_cast %add3A_145 : i32 to index
            %swap3A_182 = arith.constant 48 : index
            %swap3A_183 = tpu.vector_load %arg11[%swap3A_181, %swap3A_182] {strides = array<i32>} : memref<80x128xf32, #tpu.memory_space<vmem>>, vector<1x16xf32>,
            %swap3A_184 = vector.shape_cast %swap3A_183 : vector<1x16xf32> to vector<16xf32>
            %swap3A_185 = vector.shape_cast %mul3A_180 : vector<16xf32> to vector<1x16xf32>
            tpu.vector_store %arg11[%swap3A_181, %swap3A_182], %swap3A_185 {strides = array<i32>} : memref<80x128xf32, #tpu.memory_space<vmem>>, vector<1x16xf32>,
            %get3A_186 = arith.index_cast %add3A_145 : i32 to index
            %get3A_187 = arith.constant 64 : index
            %get3A_188 = tpu.vector_load %arg11[%get3A_186, %get3A_187] {strides = array<i32>} : memref<80x128xf32, #tpu.memory_space<vmem>>, vector<1x16xf32>,
            %get3A_189 = vector.shape_cast %get3A_188 : vector<1x16xf32> to vector<16xf32>
            %mul3A_190 = arith.mulf %get3A_189, %gather3A_146 : vector<16xf32>
            %swap3A_191 = arith.index_cast %add3A_145 : i32 to index
            %swap3A_192 = arith.constant 64 : index
            %swap3A_193 = tpu.vector_load %arg11[%swap3A_191, %swap3A_192] {strides = array<i32>} : memref<80x128xf32, #tpu.memory_space<vmem>>, vector<1x16xf32>,
            %swap3A_194 = vector.shape_cast %swap3A_193 : vector<1x16xf32> to vector<16xf32>
            %swap3A_195 = vector.shape_cast %mul3A_190 : vector<16xf32> to vector<1x16xf32>
            tpu.vector_store %arg11[%swap3A_191, %swap3A_192], %swap3A_195 {strides = array<i32>} : memref<80x128xf32, #tpu.memory_space<vmem>>, vector<1x16xf32>,
            %get3A_196 = arith.index_cast %add3A_145 : i32 to index
            %get3A_197 = arith.constant 80 : index
            %get3A_198 = tpu.vector_load %arg11[%get3A_196, %get3A_197] {strides = array<i32>} : memref<80x128xf32, #tpu.memory_space<vmem>>, vector<1x16xf32>,
            %get3A_199 = vector.shape_cast %get3A_198 : vector<1x16xf32> to vector<16xf32>
            %mul3A_200 = arith.mulf %get3A_199, %gather3A_146 : vector<16xf32>
            %swap3A_201 = arith.index_cast %add3A_145 : i32 to index
            %swap3A_202 = arith.constant 80 : index
            %swap3A_203 = tpu.vector_load %arg11[%swap3A_201, %swap3A_202] {strides = array<i32>} : memref<80x128xf32, #tpu.memory_space<vmem>>, vector<1x16xf32>,
            %swap3A_204 = vector.shape_cast %swap3A_203 : vector<1x16xf32> to vector<16xf32>
            %swap3A_205 = vector.shape_cast %mul3A_200 : vector<16xf32> to vector<1x16xf32>
            tpu.vector_store %arg11[%swap3A_201, %swap3A_202], %swap3A_205 {strides = array<i32>} : memref<80x128xf32, #tpu.memory_space<vmem>>, vector<1x16xf32>,
            %get3A_206 = arith.index_cast %add3A_145 : i32 to index
            %get3A_207 = arith.constant 96 : index
            %get3A_208 = tpu.vector_load %arg11[%get3A_206, %get3A_207] {strides = array<i32>} : memref<80x128xf32, #tpu.memory_space<vmem>>, vector<1x16xf32>,
            %get3A_209 = vector.shape_cast %get3A_208 : vector<1x16xf32> to vector<16xf32>
            %mul3A_210 = arith.mulf %get3A_209, %gather3A_146 : vector<16xf32>
            %swap3A_211 = arith.index_cast %add3A_145 : i32 to index
            %swap3A_212 = arith.constant 96 : index
            %swap3A_213 = tpu.vector_load %arg11[%swap3A_211, %swap3A_212] {strides = array<i32>} : memref<80x128xf32, #tpu.memory_space<vmem>>, vector<1x16xf32>,
            %swap3A_214 = vector.shape_cast %swap3A_213 : vector<1x16xf32> to vector<16xf32>
            %swap3A_215 = vector.shape_cast %mul3A_210 : vector<16xf32> to vector<1x16xf32>
            tpu.vector_store %arg11[%swap3A_211, %swap3A_212], %swap3A_215 {strides = array<i32>} : memref<80x128xf32, #tpu.memory_space<vmem>>, vector<1x16xf32>,
            %get3A_216 = arith.index_cast %add3A_145 : i32 to index
            %get3A_217 = arith.constant 112 : index
            %get3A_218 = tpu.vector_load %arg11[%get3A_216, %get3A_217] {strides = array<i32>} : memref<80x128xf32, #tpu.memory_space<vmem>>, vector<1x16xf32>,
            %get3A_219 = vector.shape_cast %get3A_218 : vector<1x16xf32> to vector<16xf32>
            %mul3A_220 = arith.mulf %get3A_219, %gather3A_146 : vector<16xf32>
            %swap3A_221 = arith.index_cast %add3A_145 : i32 to index
            %swap3A_222 = arith.constant 112 : index
            %swap3A_223 = tpu.vector_load %arg11[%swap3A_221, %swap3A_222] {strides = array<i32>} : memref<80x128xf32, #tpu.memory_space<vmem>>, vector<1x16xf32>,
            %swap3A_224 = vector.shape_cast %swap3A_223 : vector<1x16xf32> to vector<16xf32>
            %swap3A_225 = vector.shape_cast %mul3A_220 : vector<16xf32> to vector<1x16xf32>
            tpu.vector_store %arg11[%swap3A_221, %swap3A_222], %swap3A_225 {strides = array<i32>} : memref<80x128xf32, #tpu.memory_space<vmem>>, vector<1x16xf32>,
            %scan3A_226 = arith.constant 0 : i32
            scf.yield %scan3A_226 : i32
          }
          %scan3A_139 = arith.constant 16 : i32
          %scan3A_140 = arith.constant 0 : i32
          scf.yield %scan3A_140 : i32
        }
        %scan3A_88 = arith.constant 5 : i32
        %dma_wait3A_89 = arith.constant 0 : i32
        %dma_wait3A_90 = tpu.memref_slice %arg8[%add3A_72, %dma_wait3A_89] : memref<25x80xi32, #tpu.memory_space<vmem>> -> memref<1x80xi32, #tpu.memory_space<vmem>>
        %dma_wait3A_91 = tpu.memref_squeeze %dma_wait3A_90 : memref<1x80xi32, #tpu.memory_space<vmem>> -> memref<80xi32, #tpu.memory_space<vmem>>
        %dma_wait3A_92 = arith.constant 0 : i32
        %dma_wait3A_93 = arith.constant 0 : i32
        %dma_wait3A_94 = tpu.memref_slice %arg2[%dma_wait3A_92, %dma_wait3A_93] : memref<10000x128xf32, #tpu.memory_space<hbm>> -> memref<10000x128xf32, #tpu.memory_space<hbm>>
        tpu.wait_indirect_dma semaphore(%arg15 : memref<!tpu.dma_semaphore, #tpu.memory_space<semaphore_mem>>) src(%dma_wait3A_94 : memref<10000x128xf32, #tpu.memory_space<hbm>>) dst(%arg12 : memref<80x128xf32, #tpu.memory_space<vmem>>)
        "tpu.region"() ({
          %run_scoped3A_124 = tpu.sem_alloc : memref<!tpu.dma_semaphore, #tpu.memory_space<semaphore_mem>>
          %dma_start3A_125 = arith.constant 0 : i32
          %dma_start3A_126 = tpu.memref_slice %arg9[%add3A_70, %dma_start3A_125] : memref<25x80xi32, #tpu.memory_space<vmem>> -> memref<1x80xi32, #tpu.memory_space<vmem>>
          %dma_start3A_127 = tpu.memref_squeeze %dma_start3A_126 : memref<1x80xi32, #tpu.memory_space<vmem>> -> memref<80xi32, #tpu.memory_space<vmem>>
          %dma_start3A_128 = arith.constant 0 : i32
          %dma_start3A_129 = arith.constant 0 : i32
          %dma_start3A_130 = tpu.memref_slice %arg7[%dma_start3A_128, %dma_start3A_129] : memref<10000x128xf32, #tpu.memory_space<vmem_shared>> -> memref<10000x128xf32, #tpu.memory_space<vmem_shared>>
          tpu.enqueue_indirect_dma source(%arg11 : memref<80x128xf32, #tpu.memory_space<vmem>>) target(%dma_start3A_130 : memref<10000x128xf32, #tpu.memory_space<vmem_shared>>) offsets(%dma_start3A_127 : memref<80xi32, #tpu.memory_space<vmem>>) semaphore(%run_scoped3A_124 : memref<!tpu.dma_semaphore, #tpu.memory_space<semaphore_mem>>) {add = true}
          %dma_wait3A_131 = arith.constant 0 : i32
          %dma_wait3A_132 = tpu.memref_slice %arg9[%add3A_70, %dma_wait3A_131] : memref<25x80xi32, #tpu.memory_space<vmem>> -> memref<1x80xi32, #tpu.memory_space<vmem>>
          %dma_wait3A_133 = tpu.memref_squeeze %dma_wait3A_132 : memref<1x80xi32, #tpu.memory_space<vmem>> -> memref<80xi32, #tpu.memory_space<vmem>>
          %dma_wait3A_134 = arith.constant 0 : i32
          %dma_wait3A_135 = arith.constant 0 : i32
          %dma_wait3A_136 = tpu.memref_slice %arg7[%dma_wait3A_134, %dma_wait3A_135] : memref<10000x128xf32, #tpu.memory_space<vmem_shared>> -> memref<10000x128xf32, #tpu.memory_space<vmem_shared>>
          tpu.wait_indirect_dma semaphore(%run_scoped3A_124 : memref<!tpu.dma_semaphore, #tpu.memory_space<semaphore_mem>>) src(%arg11 : memref<80x128xf32, #tpu.memory_space<vmem>>) dst(%dma_wait3A_136 : memref<10000x128xf32, #tpu.memory_space<vmem_shared>>)
          tpu.yield
        }) : () -> ()
        %mul3A_95 = arith.constant 2 : i32
        %mul3A_96 = arith.muli %scan3A_65, %mul3A_95 : i32
        %add3A_97 = arith.constant 1 : i32
        %add3A_98 = arith.addi %mul3A_96, %add3A_97 : i32
        %add3A_99 = arith.constant 1 : i32
        %add3A_100 = arith.addi %add3A_98, %add3A_99 : i32
        %dma_start3A_101 = arith.constant 0 : i32
        %dma_start3A_102 = tpu.memref_slice %arg8[%add3A_100, %dma_start3A_101] : memref<25x80xi32, #tpu.memory_space<vmem>> -> memref<1x80xi32, #tpu.memory_space<vmem>>
        %dma_start3A_103 = tpu.memref_squeeze %dma_start3A_102 : memref<1x80xi32, #tpu.memory_space<vmem>> -> memref<80xi32, #tpu.memory_space<vmem>>
        %dma_start3A_104 = arith.constant 0 : i32
        %dma_start3A_105 = arith.constant 0 : i32
        %dma_start3A_106 = tpu.memref_slice %arg2[%dma_start3A_104, %dma_start3A_105] : memref<10000x128xf32, #tpu.memory_space<hbm>> -> memref<10000x128xf32, #tpu.memory_space<hbm>>
        tpu.enqueue_indirect_dma source(%dma_start3A_106 : memref<10000x128xf32, #tpu.memory_space<hbm>>) target(%arg11 : memref<80x128xf32, #tpu.memory_space<vmem>>) offsets(%dma_start3A_103 : memref<80xi32, #tpu.memory_space<vmem>>) semaphore(%arg14 : memref<!tpu.dma_semaphore, #tpu.memory_space<semaphore_mem>>)
        %mul3A_107 = arith.constant 25 : i32
        %mul3A_108 = arith.muli %scan3A_31, %mul3A_107 : i32
        %add3A_109 = arith.addi %mul3A_108, %add3A_98 : i32
        %scan3A_110 = arith.constant 0 : i32
        %scan3A_111 = arith.constant 0 : i32
        %scan3A_112 = arith.constant 5 : i32
        %scan3A_113 = arith.addi %scan3A_111, %scan3A_112 : i32
        %scan3A_114 = arith.constant 1 : i32
        %scan3A_115 = scf.for %scan3A_124 = %scan3A_111 to %scan3A_113 step %scan3A_114 iter_args(%scan3A_125 = %scan3A_110) -> (i32)  : i32 {
          %mul3A_126 = arith.constant 80 : i32
          %mul3A_127 = arith.muli %add3A_109, %mul3A_126 : i32
          %mul3A_128 = arith.constant 16 : i32
          %mul3A_129 = arith.muli %scan3A_124, %mul3A_128 : i32
          %add3A_130 = arith.addi %mul3A_127, %mul3A_129 : i32
          %get3A = arith.index_cast %add3A_130 : i32 to index
          %get3A_131 = tpu.vector_load %arg10[%get3A] {strides = array<i32>} : memref<10000xf32, #tpu.memory_space<vmem>>, vector<16xf32>,
          %get3A_132 = vector.shape_cast %get3A_131 : vector<16xf32> to vector<16xf32>
          %scan3A_133 = arith.constant 0 : i32
          %scan3A_134 = arith.constant 0 : i32
          %scan3A_135 = arith.constant 16 : i32
          %scan3A_136 = arith.addi %scan3A_134, %scan3A_135 : i32
          %scan3A_137 = arith.constant 1 : i32
          %scan3A_138 = scf.for %scan3A_141 = %scan3A_134 to %scan3A_136 step %scan3A_137 iter_args(%scan3A_142 = %scan3A_133) -> (i32)  : i32 {
            %mul3A_143 = arith.constant 16 : i32
            %mul3A_144 = arith.muli %scan3A_124, %mul3A_143 : i32
            %add3A_145 = arith.addi %mul3A_144, %scan3A_141 : i32
            %broadcast_in_dim3A = vector.broadcast %scan3A_141 : i32 to vector<16x1xi32>
            %gather3A = vector.shape_cast %broadcast_in_dim3A : vector<16x1xi32> to vector<16xi32>
            %gather3A_146 = tpu.dynamic_gather %get3A_132[%gather3A] in [0] : vector<16xf32>, vector<16xi32> -> vector<16xf32>
            %get3A_147 = arith.index_cast %add3A_145 : i32 to index
            %get3A_148 = arith.constant 0 : index
            %get3A_149 = tpu.vector_load %arg12[%get3A_147, %get3A_148] {strides = array<i32>} : memref<80x128xf32, #tpu.memory_space<vmem>>, vector<1x16xf32>,
            %get3A_150 = vector.shape_cast %get3A_149 : vector<1x16xf32> to vector<16xf32>
            %mul3A_151 = arith.mulf %get3A_150, %gather3A_146 : vector<16xf32>
            %swap3A = arith.index_cast %add3A_145 : i32 to index
            %swap3A_152 = arith.constant 0 : index
            %swap3A_153 = tpu.vector_load %arg12[%swap3A, %swap3A_152] {strides = array<i32>} : memref<80x128xf32, #tpu.memory_space<vmem>>, vector<1x16xf32>,
            %swap3A_154 = vector.shape_cast %swap3A_153 : vector<1x16xf32> to vector<16xf32>
            %swap3A_155 = vector.shape_cast %mul3A_151 : vector<16xf32> to vector<1x16xf32>
            tpu.vector_store %arg12[%swap3A, %swap3A_152], %swap3A_155 {strides = array<i32>} : memref<80x128xf32, #tpu.memory_space<vmem>>, vector<1x16xf32>,
            %get3A_156 = arith.index_cast %add3A_145 : i32 to index
            %get3A_157 = arith.constant 16 : index
            %get3A_158 = tpu.vector_load %arg12[%get3A_156, %get3A_157] {strides = array<i32>} : memref<80x128xf32, #tpu.memory_space<vmem>>, vector<1x16xf32>,
            %get3A_159 = vector.shape_cast %get3A_158 : vector<1x16xf32> to vector<16xf32>
            %mul3A_160 = arith.mulf %get3A_159, %gather3A_146 : vector<16xf32>
            %swap3A_161 = arith.index_cast %add3A_145 : i32 to index
            %swap3A_162 = arith.constant 16 : index
            %swap3A_163 = tpu.vector_load %arg12[%swap3A_161, %swap3A_162] {strides = array<i32>} : memref<80x128xf32, #tpu.memory_space<vmem>>, vector<1x16xf32>,
            %swap3A_164 = vector.shape_cast %swap3A_163 : vector<1x16xf32> to vector<16xf32>
            %swap3A_165 = vector.shape_cast %mul3A_160 : vector<16xf32> to vector<1x16xf32>
            tpu.vector_store %arg12[%swap3A_161, %swap3A_162], %swap3A_165 {strides = array<i32>} : memref<80x128xf32, #tpu.memory_space<vmem>>, vector<1x16xf32>,
            %get3A_166 = arith.index_cast %add3A_145 : i32 to index
            %get3A_167 = arith.constant 32 : index
            %get3A_168 = tpu.vector_load %arg12[%get3A_166, %get3A_167] {strides = array<i32>} : memref<80x128xf32, #tpu.memory_space<vmem>>, vector<1x16xf32>,
            %get3A_169 = vector.shape_cast %get3A_168 : vector<1x16xf32> to vector<16xf32>
            %mul3A_170 = arith.mulf %get3A_169, %gather3A_146 : vector<16xf32>
            %swap3A_171 = arith.index_cast %add3A_145 : i32 to index
            %swap3A_172 = arith.constant 32 : index
            %swap3A_173 = tpu.vector_load %arg12[%swap3A_171, %swap3A_172] {strides = array<i32>} : memref<80x128xf32, #tpu.memory_space<vmem>>, vector<1x16xf32>,
            %swap3A_174 = vector.shape_cast %swap3A_173 : vector<1x16xf32> to vector<16xf32>
            %swap3A_175 = vector.shape_cast %mul3A_170 : vector<16xf32> to vector<1x16xf32>
            tpu.vector_store %arg12[%swap3A_171, %swap3A_172], %swap3A_175 {strides = array<i32>} : memref<80x128xf32, #tpu.memory_space<vmem>>, vector<1x16xf32>,
            %get3A_176 = arith.index_cast %add3A_145 : i32 to index
            %get3A_177 = arith.constant 48 : index
            %get3A_178 = tpu.vector_load %arg12[%get3A_176, %get3A_177] {strides = array<i32>} : memref<80x128xf32, #tpu.memory_space<vmem>>, vector<1x16xf32>,
            %get3A_179 = vector.shape_cast %get3A_178 : vector<1x16xf32> to vector<16xf32>
            %mul3A_180 = arith.mulf %get3A_179, %gather3A_146 : vector<16xf32>
            %swap3A_181 = arith.index_cast %add3A_145 : i32 to index
            %swap3A_182 = arith.constant 48 : index
            %swap3A_183 = tpu.vector_load %arg12[%swap3A_181, %swap3A_182] {strides = array<i32>} : memref<80x128xf32, #tpu.memory_space<vmem>>, vector<1x16xf32>,
            %swap3A_184 = vector.shape_cast %swap3A_183 : vector<1x16xf32> to vector<16xf32>
            %swap3A_185 = vector.shape_cast %mul3A_180 : vector<16xf32> to vector<1x16xf32>
            tpu.vector_store %arg12[%swap3A_181, %swap3A_182], %swap3A_185 {strides = array<i32>} : memref<80x128xf32, #tpu.memory_space<vmem>>, vector<1x16xf32>,
            %get3A_186 = arith.index_cast %add3A_145 : i32 to index
            %get3A_187 = arith.constant 64 : index
            %get3A_188 = tpu.vector_load %arg12[%get3A_186, %get3A_187] {strides = array<i32>} : memref<80x128xf32, #tpu.memory_space<vmem>>, vector<1x16xf32>,
            %get3A_189 = vector.shape_cast %get3A_188 : vector<1x16xf32> to vector<16xf32>
            %mul3A_190 = arith.mulf %get3A_189, %gather3A_146 : vector<16xf32>
            %swap3A_191 = arith.index_cast %add3A_145 : i32 to index
            %swap3A_192 = arith.constant 64 : index
            %swap3A_193 = tpu.vector_load %arg12[%swap3A_191, %swap3A_192] {strides = array<i32>} : memref<80x128xf32, #tpu.memory_space<vmem>>, vector<1x16xf32>,
            %swap3A_194 = vector.shape_cast %swap3A_193 : vector<1x16xf32> to vector<16xf32>
            %swap3A_195 = vector.shape_cast %mul3A_190 : vector<16xf32> to vector<1x16xf32>
            tpu.vector_store %arg12[%swap3A_191, %swap3A_192], %swap3A_195 {strides = array<i32>} : memref<80x128xf32, #tpu.memory_space<vmem>>, vector<1x16xf32>,
            %get3A_196 = arith.index_cast %add3A_145 : i32 to index
            %get3A_197 = arith.constant 80 : index
            %get3A_198 = tpu.vector_load %arg12[%get3A_196, %get3A_197] {strides = array<i32>} : memref<80x128xf32, #tpu.memory_space<vmem>>, vector<1x16xf32>,
            %get3A_199 = vector.shape_cast %get3A_198 : vector<1x16xf32> to vector<16xf32>
            %mul3A_200 = arith.mulf %get3A_199, %gather3A_146 : vector<16xf32>
            %swap3A_201 = arith.index_cast %add3A_145 : i32 to index
            %swap3A_202 = arith.constant 80 : index
            %swap3A_203 = tpu.vector_load %arg12[%swap3A_201, %swap3A_202] {strides = array<i32>} : memref<80x128xf32, #tpu.memory_space<vmem>>, vector<1x16xf32>,
            %swap3A_204 = vector.shape_cast %swap3A_203 : vector<1x16xf32> to vector<16xf32>
            %swap3A_205 = vector.shape_cast %mul3A_200 : vector<16xf32> to vector<1x16xf32>
            tpu.vector_store %arg12[%swap3A_201, %swap3A_202], %swap3A_205 {strides = array<i32>} : memref<80x128xf32, #tpu.memory_space<vmem>>, vector<1x16xf32>,
            %get3A_206 = arith.index_cast %add3A_145 : i32 to index
            %get3A_207 = arith.constant 96 : index
            %get3A_208 = tpu.vector_load %arg12[%get3A_206, %get3A_207] {strides = array<i32>} : memref<80x128xf32, #tpu.memory_space<vmem>>, vector<1x16xf32>,
            %get3A_209 = vector.shape_cast %get3A_208 : vector<1x16xf32> to vector<16xf32>
            %mul3A_210 = arith.mulf %get3A_209, %gather3A_146 : vector<16xf32>
            %swap3A_211 = arith.index_cast %add3A_145 : i32 to index
            %swap3A_212 = arith.constant 96 : index
            %swap3A_213 = tpu.vector_load %arg12[%swap3A_211, %swap3A_212] {strides = array<i32>} : memref<80x128xf32, #tpu.memory_space<vmem>>, vector<1x16xf32>,
            %swap3A_214 = vector.shape_cast %swap3A_213 : vector<1x16xf32> to vector<16xf32>
            %swap3A_215 = vector.shape_cast %mul3A_210 : vector<16xf32> to vector<1x16xf32>
            tpu.vector_store %arg12[%swap3A_211, %swap3A_212], %swap3A_215 {strides = array<i32>} : memref<80x128xf32, #tpu.memory_space<vmem>>, vector<1x16xf32>,
            %get3A_216 = arith.index_cast %add3A_145 : i32 to index
            %get3A_217 = arith.constant 112 : index
            %get3A_218 = tpu.vector_load %arg12[%get3A_216, %get3A_217] {strides = array<i32>} : memref<80x128xf32, #tpu.memory_space<vmem>>, vector<1x16xf32>,
            %get3A_219 = vector.shape_cast %get3A_218 : vector<1x16xf32> to vector<16xf32>
            %mul3A_220 = arith.mulf %get3A_219, %gather3A_146 : vector<16xf32>
            %swap3A_221 = arith.index_cast %add3A_145 : i32 to index
            %swap3A_222 = arith.constant 112 : index
            %swap3A_223 = tpu.vector_load %arg12[%swap3A_221, %swap3A_222] {strides = array<i32>} : memref<80x128xf32, #tpu.memory_space<vmem>>, vector<1x16xf32>,
            %swap3A_224 = vector.shape_cast %swap3A_223 : vector<1x16xf32> to vector<16xf32>
            %swap3A_225 = vector.shape_cast %mul3A_220 : vector<16xf32> to vector<1x16xf32>
            tpu.vector_store %arg12[%swap3A_221, %swap3A_222], %swap3A_225 {strides = array<i32>} : memref<80x128xf32, #tpu.memory_space<vmem>>, vector<1x16xf32>,
            %scan3A_226 = arith.constant 0 : i32
            scf.yield %scan3A_226 : i32
          }
          %scan3A_139 = arith.constant 16 : i32
          %scan3A_140 = arith.constant 0 : i32
          scf.yield %scan3A_140 : i32
        }
        %scan3A_116 = arith.constant 5 : i32
        %dma_wait3A_117 = arith.constant 0 : i32
        %dma_wait3A_118 = tpu.memref_slice %arg8[%add3A_100, %dma_wait3A_117] : memref<25x80xi32, #tpu.memory_space<vmem>> -> memref<1x80xi32, #tpu.memory_space<vmem>>
        %dma_wait3A_119 = tpu.memref_squeeze %dma_wait3A_118 : memref<1x80xi32, #tpu.memory_space<vmem>> -> memref<80xi32, #tpu.memory_space<vmem>>
        %dma_wait3A_120 = arith.constant 0 : i32
        %dma_wait3A_121 = arith.constant 0 : i32
        %dma_wait3A_122 = tpu.memref_slice %arg2[%dma_wait3A_120, %dma_wait3A_121] : memref<10000x128xf32, #tpu.memory_space<hbm>> -> memref<10000x128xf32, #tpu.memory_space<hbm>>
        tpu.wait_indirect_dma semaphore(%arg14 : memref<!tpu.dma_semaphore, #tpu.memory_space<semaphore_mem>>) src(%dma_wait3A_122 : memref<10000x128xf32, #tpu.memory_space<hbm>>) dst(%arg11 : memref<80x128xf32, #tpu.memory_space<vmem>>)
        "tpu.region"() ({
          %run_scoped3A_124 = tpu.sem_alloc : memref<!tpu.dma_semaphore, #tpu.memory_space<semaphore_mem>>
          %dma_start3A_125 = arith.constant 0 : i32
          %dma_start3A_126 = tpu.memref_slice %arg9[%add3A_98, %dma_start3A_125] : memref<25x80xi32, #tpu.memory_space<vmem>> -> memref<1x80xi32, #tpu.memory_space<vmem>>
          %dma_start3A_127 = tpu.memref_squeeze %dma_start3A_126 : memref<1x80xi32, #tpu.memory_space<vmem>> -> memref<80xi32, #tpu.memory_space<vmem>>
          %dma_start3A_128 = arith.constant 0 : i32
          %dma_start3A_129 = arith.constant 0 : i32
          %dma_start3A_130 = tpu.memref_slice %arg7[%dma_start3A_128, %dma_start3A_129] : memref<10000x128xf32, #tpu.memory_space<vmem_shared>> -> memref<10000x128xf32, #tpu.memory_space<vmem_shared>>
          tpu.enqueue_indirect_dma source(%arg12 : memref<80x128xf32, #tpu.memory_space<vmem>>) target(%dma_start3A_130 : memref<10000x128xf32, #tpu.memory_space<vmem_shared>>) offsets(%dma_start3A_127 : memref<80xi32, #tpu.memory_space<vmem>>) semaphore(%run_scoped3A_124 : memref<!tpu.dma_semaphore, #tpu.memory_space<semaphore_mem>>) {add = true}
          %dma_wait3A_131 = arith.constant 0 : i32
          %dma_wait3A_132 = tpu.memref_slice %arg9[%add3A_98, %dma_wait3A_131] : memref<25x80xi32, #tpu.memory_space<vmem>> -> memref<1x80xi32, #tpu.memory_space<vmem>>
          %dma_wait3A_133 = tpu.memref_squeeze %dma_wait3A_132 : memref<1x80xi32, #tpu.memory_space<vmem>> -> memref<80xi32, #tpu.memory_space<vmem>>
          %dma_wait3A_134 = arith.constant 0 : i32
          %dma_wait3A_135 = arith.constant 0 : i32
          %dma_wait3A_136 = tpu.memref_slice %arg7[%dma_wait3A_134, %dma_wait3A_135] : memref<10000x128xf32, #tpu.memory_space<vmem_shared>> -> memref<10000x128xf32, #tpu.memory_space<vmem_shared>>
          tpu.wait_indirect_dma semaphore(%run_scoped3A_124 : memref<!tpu.dma_semaphore, #tpu.memory_space<semaphore_mem>>) src(%arg12 : memref<80x128xf32, #tpu.memory_space<vmem>>) dst(%dma_wait3A_136 : memref<10000x128xf32, #tpu.memory_space<vmem_shared>>)
          tpu.yield
        }) : () -> ()
        %scan3A_123 = arith.constant 0 : i32
        scf.yield %scan3A_123 : i32
      }
      %scan3A_51 = arith.constant 12 : i32
      %mul3A_52 = arith.constant 25 : i32
      %mul3A_53 = arith.muli %scan3A_31, %mul3A_52 : i32
      %add3A_54 = arith.constant 25 : i32
      %add3A_55 = arith.addi %mul3A_53, %add3A_54 : i32
      %sub3A = arith.constant 1 : i32
      %sub3A_56 = arith.subi %add3A_55, %sub3A : i32
      %scan3A_57 = arith.constant 0 : i32
      %scan3A_58 = arith.constant 0 : i32
      %scan3A_59 = arith.constant 5 : i32
      %scan3A_60 = arith.addi %scan3A_58, %scan3A_59 : i32
      %scan3A_61 = arith.constant 1 : i32
      %scan3A_62 = scf.for %scan3A_65 = %scan3A_58 to %scan3A_60 step %scan3A_61 iter_args(%scan3A_66 = %scan3A_57) -> (i32)  : i32 {
        %mul3A_67 = arith.constant 80 : i32
        %mul3A_68 = arith.muli %sub3A_56, %mul3A_67 : i32
        %mul3A_69 = arith.constant 16 : i32
        %mul3A_70 = arith.muli %scan3A_65, %mul3A_69 : i32
        %add3A_71 = arith.addi %mul3A_68, %mul3A_70 : i32
        %get3A = arith.index_cast %add3A_71 : i32 to index
        %get3A_72 = tpu.vector_load %arg10[%get3A] {strides = array<i32>} : memref<10000xf32, #tpu.memory_space<vmem>>, vector<16xf32>,
        %get3A_73 = vector.shape_cast %get3A_72 : vector<16xf32> to vector<16xf32>
        %scan3A_74 = arith.constant 0 : i32
        %scan3A_75 = arith.constant 0 : i32
        %scan3A_76 = arith.constant 16 : i32
        %scan3A_77 = arith.addi %scan3A_75, %scan3A_76 : i32
        %scan3A_78 = arith.constant 1 : i32
        %scan3A_79 = scf.for %scan3A_82 = %scan3A_75 to %scan3A_77 step %scan3A_78 iter_args(%scan3A_83 = %scan3A_74) -> (i32)  : i32 {
          %mul3A_84 = arith.constant 16 : i32
          %mul3A_85 = arith.muli %scan3A_65, %mul3A_84 : i32
          %add3A_86 = arith.addi %mul3A_85, %scan3A_82 : i32
          %broadcast_in_dim3A = vector.broadcast %scan3A_82 : i32 to vector<16x1xi32>
          %gather3A = vector.shape_cast %broadcast_in_dim3A : vector<16x1xi32> to vector<16xi32>
          %gather3A_87 = tpu.dynamic_gather %get3A_73[%gather3A] in [0] : vector<16xf32>, vector<16xi32> -> vector<16xf32>
          %get3A_88 = arith.index_cast %add3A_86 : i32 to index
          %get3A_89 = arith.constant 0 : index
          %get3A_90 = tpu.vector_load %arg11[%get3A_88, %get3A_89] {strides = array<i32>} : memref<80x128xf32, #tpu.memory_space<vmem>>, vector<1x16xf32>,
          %get3A_91 = vector.shape_cast %get3A_90 : vector<1x16xf32> to vector<16xf32>
          %mul3A_92 = arith.mulf %get3A_91, %gather3A_87 : vector<16xf32>
          %swap3A = arith.index_cast %add3A_86 : i32 to index
          %swap3A_93 = arith.constant 0 : index
          %swap3A_94 = tpu.vector_load %arg11[%swap3A, %swap3A_93] {strides = array<i32>} : memref<80x128xf32, #tpu.memory_space<vmem>>, vector<1x16xf32>,
          %swap3A_95 = vector.shape_cast %swap3A_94 : vector<1x16xf32> to vector<16xf32>
          %swap3A_96 = vector.shape_cast %mul3A_92 : vector<16xf32> to vector<1x16xf32>
          tpu.vector_store %arg11[%swap3A, %swap3A_93], %swap3A_96 {strides = array<i32>} : memref<80x128xf32, #tpu.memory_space<vmem>>, vector<1x16xf32>,
          %get3A_97 = arith.index_cast %add3A_86 : i32 to index
          %get3A_98 = arith.constant 16 : index
          %get3A_99 = tpu.vector_load %arg11[%get3A_97, %get3A_98] {strides = array<i32>} : memref<80x128xf32, #tpu.memory_space<vmem>>, vector<1x16xf32>,
          %get3A_100 = vector.shape_cast %get3A_99 : vector<1x16xf32> to vector<16xf32>
          %mul3A_101 = arith.mulf %get3A_100, %gather3A_87 : vector<16xf32>
          %swap3A_102 = arith.index_cast %add3A_86 : i32 to index
          %swap3A_103 = arith.constant 16 : index
          %swap3A_104 = tpu.vector_load %arg11[%swap3A_102, %swap3A_103] {strides = array<i32>} : memref<80x128xf32, #tpu.memory_space<vmem>>, vector<1x16xf32>,
          %swap3A_105 = vector.shape_cast %swap3A_104 : vector<1x16xf32> to vector<16xf32>
          %swap3A_106 = vector.shape_cast %mul3A_101 : vector<16xf32> to vector<1x16xf32>
          tpu.vector_store %arg11[%swap3A_102, %swap3A_103], %swap3A_106 {strides = array<i32>} : memref<80x128xf32, #tpu.memory_space<vmem>>, vector<1x16xf32>,
          %get3A_107 = arith.index_cast %add3A_86 : i32 to index
          %get3A_108 = arith.constant 32 : index
          %get3A_109 = tpu.vector_load %arg11[%get3A_107, %get3A_108] {strides = array<i32>} : memref<80x128xf32, #tpu.memory_space<vmem>>, vector<1x16xf32>,
          %get3A_110 = vector.shape_cast %get3A_109 : vector<1x16xf32> to vector<16xf32>
          %mul3A_111 = arith.mulf %get3A_110, %gather3A_87 : vector<16xf32>
          %swap3A_112 = arith.index_cast %add3A_86 : i32 to index
          %swap3A_113 = arith.constant 32 : index
          %swap3A_114 = tpu.vector_load %arg11[%swap3A_112, %swap3A_113] {strides = array<i32>} : memref<80x128xf32, #tpu.memory_space<vmem>>, vector<1x16xf32>,
          %swap3A_115 = vector.shape_cast %swap3A_114 : vector<1x16xf32> to vector<16xf32>
          %swap3A_116 = vector.shape_cast %mul3A_111 : vector<16xf32> to vector<1x16xf32>
          tpu.vector_store %arg11[%swap3A_112, %swap3A_113], %swap3A_116 {strides = array<i32>} : memref<80x128xf32, #tpu.memory_space<vmem>>, vector<1x16xf32>,
          %get3A_117 = arith.index_cast %add3A_86 : i32 to index
          %get3A_118 = arith.constant 48 : index
          %get3A_119 = tpu.vector_load %arg11[%get3A_117, %get3A_118] {strides = array<i32>} : memref<80x128xf32, #tpu.memory_space<vmem>>, vector<1x16xf32>,
          %get3A_120 = vector.shape_cast %get3A_119 : vector<1x16xf32> to vector<16xf32>
          %mul3A_121 = arith.mulf %get3A_120, %gather3A_87 : vector<16xf32>
          %swap3A_122 = arith.index_cast %add3A_86 : i32 to index
          %swap3A_123 = arith.constant 48 : index
          %swap3A_124 = tpu.vector_load %arg11[%swap3A_122, %swap3A_123] {strides = array<i32>} : memref<80x128xf32, #tpu.memory_space<vmem>>, vector<1x16xf32>,
          %swap3A_125 = vector.shape_cast %swap3A_124 : vector<1x16xf32> to vector<16xf32>
          %swap3A_126 = vector.shape_cast %mul3A_121 : vector<16xf32> to vector<1x16xf32>
          tpu.vector_store %arg11[%swap3A_122, %swap3A_123], %swap3A_126 {strides = array<i32>} : memref<80x128xf32, #tpu.memory_space<vmem>>, vector<1x16xf32>,
          %get3A_127 = arith.index_cast %add3A_86 : i32 to index
          %get3A_128 = arith.constant 64 : index
          %get3A_129 = tpu.vector_load %arg11[%get3A_127, %get3A_128] {strides = array<i32>} : memref<80x128xf32, #tpu.memory_space<vmem>>, vector<1x16xf32>,
          %get3A_130 = vector.shape_cast %get3A_129 : vector<1x16xf32> to vector<16xf32>
          %mul3A_131 = arith.mulf %get3A_130, %gather3A_87 : vector<16xf32>
          %swap3A_132 = arith.index_cast %add3A_86 : i32 to index
          %swap3A_133 = arith.constant 64 : index
          %swap3A_134 = tpu.vector_load %arg11[%swap3A_132, %swap3A_133] {strides = array<i32>} : memref<80x128xf32, #tpu.memory_space<vmem>>, vector<1x16xf32>,
          %swap3A_135 = vector.shape_cast %swap3A_134 : vector<1x16xf32> to vector<16xf32>
          %swap3A_136 = vector.shape_cast %mul3A_131 : vector<16xf32> to vector<1x16xf32>
          tpu.vector_store %arg11[%swap3A_132, %swap3A_133], %swap3A_136 {strides = array<i32>} : memref<80x128xf32, #tpu.memory_space<vmem>>, vector<1x16xf32>,
          %get3A_137 = arith.index_cast %add3A_86 : i32 to index
          %get3A_138 = arith.constant 80 : index
          %get3A_139 = tpu.vector_load %arg11[%get3A_137, %get3A_138] {strides = array<i32>} : memref<80x128xf32, #tpu.memory_space<vmem>>, vector<1x16xf32>,
          %get3A_140 = vector.shape_cast %get3A_139 : vector<1x16xf32> to vector<16xf32>
          %mul3A_141 = arith.mulf %get3A_140, %gather3A_87 : vector<16xf32>
          %swap3A_142 = arith.index_cast %add3A_86 : i32 to index
          %swap3A_143 = arith.constant 80 : index
          %swap3A_144 = tpu.vector_load %arg11[%swap3A_142, %swap3A_143] {strides = array<i32>} : memref<80x128xf32, #tpu.memory_space<vmem>>, vector<1x16xf32>,
          %swap3A_145 = vector.shape_cast %swap3A_144 : vector<1x16xf32> to vector<16xf32>
          %swap3A_146 = vector.shape_cast %mul3A_141 : vector<16xf32> to vector<1x16xf32>
          tpu.vector_store %arg11[%swap3A_142, %swap3A_143], %swap3A_146 {strides = array<i32>} : memref<80x128xf32, #tpu.memory_space<vmem>>, vector<1x16xf32>,
          %get3A_147 = arith.index_cast %add3A_86 : i32 to index
          %get3A_148 = arith.constant 96 : index
          %get3A_149 = tpu.vector_load %arg11[%get3A_147, %get3A_148] {strides = array<i32>} : memref<80x128xf32, #tpu.memory_space<vmem>>, vector<1x16xf32>,
          %get3A_150 = vector.shape_cast %get3A_149 : vector<1x16xf32> to vector<16xf32>
          %mul3A_151 = arith.mulf %get3A_150, %gather3A_87 : vector<16xf32>
          %swap3A_152 = arith.index_cast %add3A_86 : i32 to index
          %swap3A_153 = arith.constant 96 : index
          %swap3A_154 = tpu.vector_load %arg11[%swap3A_152, %swap3A_153] {strides = array<i32>} : memref<80x128xf32, #tpu.memory_space<vmem>>, vector<1x16xf32>,
          %swap3A_155 = vector.shape_cast %swap3A_154 : vector<1x16xf32> to vector<16xf32>
          %swap3A_156 = vector.shape_cast %mul3A_151 : vector<16xf32> to vector<1x16xf32>
          tpu.vector_store %arg11[%swap3A_152, %swap3A_153], %swap3A_156 {strides = array<i32>} : memref<80x128xf32, #tpu.memory_space<vmem>>, vector<1x16xf32>,
          %get3A_157 = arith.index_cast %add3A_86 : i32 to index
          %get3A_158 = arith.constant 112 : index
          %get3A_159 = tpu.vector_load %arg11[%get3A_157, %get3A_158] {strides = array<i32>} : memref<80x128xf32, #tpu.memory_space<vmem>>, vector<1x16xf32>,
          %get3A_160 = vector.shape_cast %get3A_159 : vector<1x16xf32> to vector<16xf32>
          %mul3A_161 = arith.mulf %get3A_160, %gather3A_87 : vector<16xf32>
          %swap3A_162 = arith.index_cast %add3A_86 : i32 to index
          %swap3A_163 = arith.constant 112 : index
          %swap3A_164 = tpu.vector_load %arg11[%swap3A_162, %swap3A_163] {strides = array<i32>} : memref<80x128xf32, #tpu.memory_space<vmem>>, vector<1x16xf32>,
          %swap3A_165 = vector.shape_cast %swap3A_164 : vector<1x16xf32> to vector<16xf32>
          %swap3A_166 = vector.shape_cast %mul3A_161 : vector<16xf32> to vector<1x16xf32>
          tpu.vector_store %arg11[%swap3A_162, %swap3A_163], %swap3A_166 {strides = array<i32>} : memref<80x128xf32, #tpu.memory_space<vmem>>, vector<1x16xf32>,
          %scan3A_167 = arith.constant 0 : i32
          scf.yield %scan3A_167 : i32
        }
        %scan3A_80 = arith.constant 16 : i32
        %scan3A_81 = arith.constant 0 : i32
        scf.yield %scan3A_81 : i32
      }
      %scan3A_63 = arith.constant 5 : i32
      %run_scoped3A = arith.constant 24 : i32
      "tpu.region"() ({
        %run_scoped3A_65 = tpu.sem_alloc : memref<!tpu.dma_semaphore, #tpu.memory_space<semaphore_mem>>
        %dma_start3A_66 = arith.constant 0 : i32
        %dma_start3A_67 = tpu.memref_slice %arg9[%run_scoped3A, %dma_start3A_66] : memref<25x80xi32, #tpu.memory_space<vmem>> -> memref<1x80xi32, #tpu.memory_space<vmem>>
        %dma_start3A_68 = tpu.memref_squeeze %dma_start3A_67 : memref<1x80xi32, #tpu.memory_space<vmem>> -> memref<80xi32, #tpu.memory_space<vmem>>
        %dma_start3A_69 = arith.constant 0 : i32
        %dma_start3A_70 = arith.constant 0 : i32
        %dma_start3A_71 = tpu.memref_slice %arg7[%dma_start3A_69, %dma_start3A_70] : memref<10000x128xf32, #tpu.memory_space<vmem_shared>> -> memref<10000x128xf32, #tpu.memory_space<vmem_shared>>
        tpu.enqueue_indirect_dma source(%arg11 : memref<80x128xf32, #tpu.memory_space<vmem>>) target(%dma_start3A_71 : memref<10000x128xf32, #tpu.memory_space<vmem_shared>>) offsets(%dma_start3A_68 : memref<80xi32, #tpu.memory_space<vmem>>) semaphore(%run_scoped3A_65 : memref<!tpu.dma_semaphore, #tpu.memory_space<semaphore_mem>>) {add = true}
        %dma_wait3A_72 = arith.constant 0 : i32
        %dma_wait3A_73 = tpu.memref_slice %arg9[%run_scoped3A, %dma_wait3A_72] : memref<25x80xi32, #tpu.memory_space<vmem>> -> memref<1x80xi32, #tpu.memory_space<vmem>>
        %dma_wait3A_74 = tpu.memref_squeeze %dma_wait3A_73 : memref<1x80xi32, #tpu.memory_space<vmem>> -> memref<80xi32, #tpu.memory_space<vmem>>
        %dma_wait3A_75 = arith.constant 0 : i32
        %dma_wait3A_76 = arith.constant 0 : i32
        %dma_wait3A_77 = tpu.memref_slice %arg7[%dma_wait3A_75, %dma_wait3A_76] : memref<10000x128xf32, #tpu.memory_space<vmem_shared>> -> memref<10000x128xf32, #tpu.memory_space<vmem_shared>>
        tpu.wait_indirect_dma semaphore(%run_scoped3A_65 : memref<!tpu.dma_semaphore, #tpu.memory_space<semaphore_mem>>) src(%arg11 : memref<80x128xf32, #tpu.memory_space<vmem>>) dst(%dma_wait3A_77 : memref<10000x128xf32, #tpu.memory_space<vmem_shared>>)
        tpu.yield
      }) : () -> ()
      %scan3A_64 = arith.constant 0 : i32
      scf.yield %scan3A_64 : i32
    }
    %scan3A_24 = arith.constant 5 : i32
    %barrier3A_25 = arith.constant 0 : index
    tpu.barrier barrier_id(%barrier3A_25)
    "tpu.region"() ({
      %run_scoped3A = tpu.sem_alloc : memref<!tpu.dma_semaphore, #tpu.memory_space<semaphore_mem>>
      %dma_start3A = arith.constant 0 : i32
      %dma_start3A_31 = tpu.memref_slice %arg6[%arg0, %multiple_of3A, %dma_start3A] : memref<2x10000x128xf32, #tpu.memory_space<hbm>> -> memref<1x624x128xf32, #tpu.memory_space<hbm>>
      %dma_start3A_32 = tpu.memref_squeeze %dma_start3A_31 : memref<1x624x128xf32, #tpu.memory_space<hbm>> -> memref<624x128xf32, #tpu.memory_space<hbm>>
      %dma_start3A_33 = arith.constant 0 : i32
      %dma_start3A_34 = tpu.memref_slice %arg7[%multiple_of3A, %dma_start3A_33] : memref<10000x128xf32, #tpu.memory_space<vmem_shared>> -> memref<624x128xf32, #tpu.memory_space<vmem_shared>>
      tpu.enqueue_dma source(%dma_start3A_34 : memref<624x128xf32, #tpu.memory_space<vmem_shared>>) target(%dma_start3A_32 : memref<624x128xf32, #tpu.memory_space<hbm>>) target_semaphore(%run_scoped3A : memref<!tpu.dma_semaphore, #tpu.memory_space<semaphore_mem>>)
      %dma_wait3A = arith.constant 0 : i32
      %dma_wait3A_35 = tpu.memref_slice %arg6[%arg0, %multiple_of3A, %dma_wait3A] : memref<2x10000x128xf32, #tpu.memory_space<hbm>> -> memref<1x624x128xf32, #tpu.memory_space<hbm>>
      %dma_wait3A_36 = tpu.memref_squeeze %dma_wait3A_35 : memref<1x624x128xf32, #tpu.memory_space<hbm>> -> memref<624x128xf32, #tpu.memory_space<hbm>>
      %dma_wait3A_37 = arith.constant 0 : i32
      %dma_wait3A_38 = tpu.memref_slice %arg7[%multiple_of3A, %dma_wait3A_37] : memref<10000x128xf32, #tpu.memory_space<vmem_shared>> -> memref<624x128xf32, #tpu.memory_space<vmem_shared>>
      tpu.wait_dma2 semaphore(%run_scoped3A : memref<!tpu.dma_semaphore, #tpu.memory_space<semaphore_mem>>) src(%dma_wait3A_38 : memref<624x128xf32, #tpu.memory_space<vmem_shared>>) dst(%dma_wait3A_36 : memref<624x128xf32, #tpu.memory_space<hbm>>)
      tpu.yield
    }) : () -> ()
    %eq3A_26 = arith.constant 15 : i32
    %eq3A_27 = arith.cmpi eq, %arg1, %eq3A_26 : i32
    %convert_element_type3A_28 = arith.extui %eq3A_27 : i1 to i32
    %cond3A_29 = arith.constant 0 : i32
    %cond3A_30 = arith.cmpi ne, %convert_element_type3A_28, %cond3A_29 : i32
    scf.if %cond3A_30 {
      "tpu.region"() ({
        %run_scoped3A = tpu.sem_alloc : memref<!tpu.dma_semaphore, #tpu.memory_space<semaphore_mem>>
        %dma_start3A = arith.constant 9984 : i32
        %dma_start3A_31 = arith.constant 0 : i32
        %dma_start3A_32 = tpu.memref_slice %arg6[%arg0, %dma_start3A, %dma_start3A_31] : memref<2x10000x128xf32, #tpu.memory_space<hbm>> -> memref<1x16x128xf32, #tpu.memory_space<hbm>>
        %dma_start3A_33 = tpu.memref_squeeze %dma_start3A_32 : memref<1x16x128xf32, #tpu.memory_space<hbm>> -> memref<16x128xf32, #tpu.memory_space<hbm>>
        %dma_start3A_34 = arith.constant 9984 : i32
        %dma_start3A_35 = arith.constant 0 : i32
        %dma_start3A_36 = tpu.memref_slice %arg7[%dma_start3A_34, %dma_start3A_35] : memref<10000x128xf32, #tpu.memory_space<vmem_shared>> -> memref<16x128xf32, #tpu.memory_space<vmem_shared>>
        tpu.enqueue_dma source(%dma_start3A_36 : memref<16x128xf32, #tpu.memory_space<vmem_shared>>) target(%dma_start3A_33 : memref<16x128xf32, #tpu.memory_space<hbm>>) target_semaphore(%run_scoped3A : memref<!tpu.dma_semaphore, #tpu.memory_space<semaphore_mem>>)
        %dma_wait3A = arith.constant 9984 : i32
        %dma_wait3A_37 = arith.constant 0 : i32
        %dma_wait3A_38 = tpu.memref_slice %arg6[%arg0, %dma_wait3A, %dma_wait3A_37] : memref<2x10000x128xf32, #tpu.memory_space<hbm>> -> memref<1x16x128xf32, #tpu.memory_space<hbm>>
        %dma_wait3A_39 = tpu.memref_squeeze %dma_wait3A_38 : memref<1x16x128xf32, #tpu.memory_space<hbm>> -> memref<16x128xf32, #tpu.memory_space<hbm>>
        %dma_wait3A_40 = arith.constant 9984 : i32
        %dma_wait3A_41 = arith.constant 0 : i32
        %dma_wait3A_42 = tpu.memref_slice %arg7[%dma_wait3A_40, %dma_wait3A_41] : memref<10000x128xf32, #tpu.memory_space<vmem_shared>> -> memref<16x128xf32, #tpu.memory_space<vmem_shared>>
        tpu.wait_dma2 semaphore(%run_scoped3A : memref<!tpu.dma_semaphore, #tpu.memory_space<semaphore_mem>>) src(%dma_wait3A_42 : memref<16x128xf32, #tpu.memory_space<vmem_shared>>) dst(%dma_wait3A_39 : memref<16x128xf32, #tpu.memory_space<hbm>>)
        tpu.yield
      }) : () -> ()
    } else {
    }
    return
  }
}

module attributes {stable_mosaic.version = 14 : i64} {
  func.func @_mm_body(%arg0: i32, %arg1: memref<2000x128xf32, #tpu.memory_space<vmem>>, %arg2: memref<128x128xf32, #tpu.memory_space<vmem>>, %arg3: memref<2000x128xf32, #tpu.memory_space<vmem>>) attributes {dimension_semantics = [#tpu.dimension_semantics<arbitrary>], iteration_bounds = array<i64: 5>, scalar_prefetch = 0 : i64, scratch_operands = 0 : i64, tpu.core_type = #tpu.core_type<tc>, window_params = [{transform_indices = @transform_0, window_bounds = array<i64: 2000, 128>}, {pipeline_mode = #tpu.pipeline_mode<synchronous>, transform_indices = @transform_1, window_bounds = array<i64: 128, 128>}, {transform_indices = @transform_2, window_bounds = array<i64: 2000, 128>}]} {
    %get3A = arith.constant 0 : index
    %get3A_0 = arith.constant 0 : index
    %get3A_1 = vector.load %arg1[%get3A, %get3A_0] : memref<2000x128xf32, #tpu.memory_space<vmem>>, vector<2000x128xf32>
    %get3A_2 = arith.constant 0 : index
    %get3A_3 = arith.constant 0 : index
    %get3A_4 = vector.load %arg2[%get3A_2, %get3A_3] : memref<128x128xf32, #tpu.memory_space<vmem>>, vector<128x128xf32>
    %dot_general3A = arith.constant dense<0.000000e+00> : vector<2000x128xf32>
    %dot_general3A_5 = tpu.matmul %get3A_1, %get3A_4, %dot_general3A {dimension_numbers = #tpu.dot_dimension_numbers<[1], [0], [0], [1], [0, 0, 1, 1], [], []>, transpose_lhs_hint = false} : vector<2000x128xf32>, vector<128x128xf32>, vector<2000x128xf32> -> vector<2000x128xf32>
    %swap3A = arith.constant 0 : index
    %swap3A_6 = arith.constant 0 : index
    %swap3A_7 = vector.load %arg3[%swap3A, %swap3A_6] : memref<2000x128xf32, #tpu.memory_space<vmem>>, vector<2000x128xf32>
    tpu.vector_store %arg3[%swap3A, %swap3A_6], %dot_general3A_5 {strides = array<i32>} : memref<2000x128xf32, #tpu.memory_space<vmem>>, vector<2000x128xf32>,
    return
  }
  func.func @transform_0(%arg0: i32) -> (i32, i32) {
    %c0_i32 = arith.constant 0 : i32
    %c0_i32_0 = arith.constant 0 : i32
    return %arg0, %c0_i32 : i32, i32
  }
  func.func @transform_1(%arg0: i32) -> (i32, i32) {
    %c0_i32 = arith.constant 0 : i32
    %c0_i32_0 = arith.constant 0 : i32
    %c0_i32_1 = arith.constant 0 : i32
    return %c0_i32, %c0_i32_0 : i32, i32
  }
  func.func @transform_2(%arg0: i32) -> (i32, i32) {
    %c0_i32 = arith.constant 0 : i32
    %c0_i32_0 = arith.constant 0 : i32
    return %arg0, %c0_i32 : i32, i32
  }
}

module attributes {stable_mosaic.version = 14 : i64} {
  func.func @_add_body(%arg0: i32, %arg1: memref<2000x128xf32, #tpu.memory_space<vmem>>, %arg2: memref<2000x128xf32, #tpu.memory_space<vmem>>, %arg3: memref<2000x128xf32, #tpu.memory_space<vmem>>) attributes {dimension_semantics = [#tpu.dimension_semantics<arbitrary>], iteration_bounds = array<i64: 5>, scalar_prefetch = 0 : i64, scratch_operands = 0 : i64, tpu.core_type = #tpu.core_type<tc>, window_params = [{transform_indices = @transform_0, window_bounds = array<i64: 2000, 128>}, {transform_indices = @transform_1, window_bounds = array<i64: 2000, 128>}, {transform_indices = @transform_2, window_bounds = array<i64: 2000, 128>}]} {
    %get3A = arith.constant 0 : index
    %get3A_0 = arith.constant 0 : index
    %get3A_1 = vector.load %arg1[%get3A, %get3A_0] : memref<2000x128xf32, #tpu.memory_space<vmem>>, vector<2000x128xf32>
    %get3A_2 = arith.constant 0 : index
    %get3A_3 = arith.constant 0 : index
    %get3A_4 = vector.load %arg2[%get3A_2, %get3A_3] : memref<2000x128xf32, #tpu.memory_space<vmem>>, vector<2000x128xf32>
    %add3A = arith.addf %get3A_1, %get3A_4 : vector<2000x128xf32>
    %swap3A = arith.constant 0 : index
    %swap3A_5 = arith.constant 0 : index
    %swap3A_6 = vector.load %arg3[%swap3A, %swap3A_5] : memref<2000x128xf32, #tpu.memory_space<vmem>>, vector<2000x128xf32>
    tpu.vector_store %arg3[%swap3A, %swap3A_5], %add3A {strides = array<i32>} : memref<2000x128xf32, #tpu.memory_space<vmem>>, vector<2000x128xf32>,
    return
  }
  func.func @transform_0(%arg0: i32) -> (i32, i32) {
    %c0_i32 = arith.constant 0 : i32
    %c0_i32_0 = arith.constant 0 : i32
    return %arg0, %c0_i32 : i32, i32
  }
  func.func @transform_1(%arg0: i32) -> (i32, i32) {
    %c0_i32 = arith.constant 0 : i32
    %c0_i32_0 = arith.constant 0 : i32
    return %arg0, %c0_i32 : i32, i32
  }
  func.func @transform_2(%arg0: i32) -> (i32, i32) {
    %c0_i32 = arith.constant 0 : i32
    %c0_i32_0 = arith.constant 0 : i32
    return %arg0, %c0_i32 : i32, i32
  }
}

</mosaic_0001>

<sc_bundles>
// kernel: kernel.5.cloned.1.call-start
scs
__scs_entry_jumppad:
0x0: {  	(pc) =	sbr.rel $0x88, $3  }
0x1: {  	(tag) =	ssettag $0x0;
	lr =	simm.s32 $0x1  }
0x2: {  	[smem:$0x3F9D] =	sst lr;
	_ =	strace $0xD0000000  }
0x3: {  	_ = 	snop  }
0x4: {  	_ = 	snop  }
0x5: {  	_ = 	snop  }
0x6: {  	_ = 	snop  }
0x7: {  	_ = 	snop  }
__scs_overlays_trampoline_lowered:
0x8: {  	[smem:$0x3FAC] =	sst s0  }
0x9: {  	[smem:$0x3FAD] =	sst s1  }
0xa: {  	[smem:$0x3FAE] =	sst s2  }
0xb: {  	[smem:$0x3FAF] =	sst s3  }
0xc: {  	[smem:$0x3FB0] =	sst s4  }
0xd: {  	[smem:$0x3FB1] =	sst s5  }
0xe: {  	[smem:$0x3FB2] =	sst s6  }
0xf: {  	[smem:$0x3FB3] =	sst s7  }
0x10: {  	[smem:$0x3FB4] =	sst s8  }
0x11: {  	[smem:$0x3FB5] =	sst s9;
	s0 =	simm.s32 @!p0 $0x0  }
0x12: {  	s1 =	sld [smem:$0x3F9B];
	s0 =	simm.s32 @p0 $0x1  }
0x13: {  	[smem:$0x3FB6] =	sst s0;
	s0 =	simm.s32 @!p1 $0x0  }
0x14: {  	s2 =	sld [smem:$0x3F9A];
	s0 =	simm.s32 @p1 $0x1  }
0x15: {  	[smem:$0x3FB7] =	sst s0;
	s0 =	simm.s32 @!p2 $0x0  }
0x16: {  	s3 =	sld [smem:$0x3FDB];
	s0 =	simm.s32 @p2 $0x1  }
0x17: {  	s4 =	simm.s32 $0x1BF5;
	[smem:$0x3FB9] =	sst s0  }
0x18: {  	s0 =	sld [smem:$0x3F9C];
	_ =	swait.ge [sflag:s4], $0x0  }
0x19: {  	s7 =	sld [smem:$0x3F9D]  }
0x1a: {  	s8 =	sadd.s32 $0xFFFFE003, lr  }
0x1b: {  	s9 =	sadd.s32 $0xFFFFFEF7, lr;
	s5 =	simm.s32 $0xFFFFFFFF;
	p2 =	slt.u32 s8, $0xFFFFF086  }
0x1c: {  	p1 =	slt.u32 s9, $0xF7A;
	s5 =	simm.s32 @!p2 $0x0  }
0x1d: {  	s5 =	simm.s32 @p1 $0x1;
	p0 =	seq.s32 s7, s2  }
0x1e: {  	s7 =	smul.u32 @!p0 $0xF7A, s2;
	p2 =	seq.s32 @!p0 s5, $0x0  }
0x1f: {  	s9 =	smul.u32 $0xF7A, s1;
	s8 =	simm.s32 @!p0 $0x1BF5;
	p2 =	por !p2, p0  }
0x20: {  	[sflag:s8] =	ssyncset.s32 @!p0 $0xFFFFF086;
	s6 =	sadd.s32 @!p0 s3, s7;
	s7 =	simm.s32 @!p0 $0x108  }
0x21: {  	s3 =	sadd.s32 s3, s9;
	s6 =	sadd.s32 @!p0 $0x88, s6;
	s7 =	simm.s32 @p2 $0x1082  }
0x22: {  	[simem:s7], [sflag:s8] =	dma.local @!p0 [hbm:s6], $0xF7A  }
0x23: {  	s9 =	sor.u32 $0xD0000000, s2;
	s6 =	simm.s32 $0x108;
	_ =	swait.ge @!p0 [sflag:s8], $0x0  }
0x24: {  	s3 =	sadd.s32 $0x88, s3;
	s6 =	simm.s32 @!p1 $0x1082;
	[sflag:s4] =	ssyncset.s32 $0xFFFFF086  }
0x25: {  	[simem:s6], [sflag:s4] =	dma.local [hbm:s3], $0xF7A  }
0x26: {  	[smem:$0x3F9D] =	sst s1;
	(tag) =	ssettag s2;
	_ =	strace s9  }
0x27: {  	s1 =	sld [smem:$0x3FAD]  }
0x28: {  	s2 =	sld [smem:$0x3FAE]  }
0x29: {  	s4 =	sld [smem:$0x3FB0]  }
0x2a: {  	p0 =	seq.s32 s5, $0x0;
	s5 =	sld [smem:$0x3FB1]  }
0x2b: {  	s6 =	sld [smem:$0x3FB2]  }
0x2c: {  	s7 =	sld [smem:$0x3FB3]  }
0x2d: {  	s3 =	simm.s32 $0x108;
	s8 =	sld [smem:$0x3FB4]  }
0x2e: {  	s3 =	simm.s32 @!p0 $0x1082;
	s9 =	sld [smem:$0x3FB5]  }
0x2f: {  	lr =	sadd.s32 s0, s3;
	s0 =	sld [smem:$0x3FAC]  }
0x30: {  	s3 =	sld [smem:$0x3FAF]  }
0x31: {  	[smem:$0x3FB8] =	sst s10  }
0x32: {  	s10 =	sld [smem:$0x3FB6];
	_ =	sdelay $0x3  }
0x33: {  	p0 =	seq.s32 s10, $0x1;
	s10 =	sld [smem:$0x3FB8];
	_ =	sdelay $0x3  }
0x34: {  	[smem:$0x3FB8] =	sst s10  }
0x35: {  	s10 =	sld [smem:$0x3FB7];
	_ =	sdelay $0x3  }
0x36: {  	p1 =	seq.s32 s10, $0x1;
	s10 =	sld [smem:$0x3FB8];
	_ =	sdelay $0x3  }
0x37: {  	[smem:$0x3FB8] =	sst s10  }
0x38: {  	s10 =	sld [smem:$0x3FB9]  }
0x39: {  	_ = 	snop;
	(pc) =	sbr.ind lr, $3  }
0x3a: {  	_ = 	snop  }
0x3b: {  	_ = 	snop  }
0x3c: {  	p2 =	seq.s32 s10, $0x1;
	s10 =	sld [smem:$0x3FB8]  }
0x3d: {  	_ =	shalt  }
0x3e: {  	_ =	shalt  }
0x3f: {  	_ =	shalt  }
0x40: {  	_ =	shalt  }
0x41: {  	_ =	shalt  }
0x42: {  	_ =	shalt  }
0x43: {  	_ =	shalt  }
0x44: {  	_ =	shalt  }
0x45: {  	_ =	shalt  }
0x46: {  	_ =	shalt  }
0x47: {  	_ =	shalt  }
0x48: {  	_ =	shalt  }
0x49: {  	_ =	shalt  }
0x4a: {  	_ =	shalt  }
0x4b: {  	_ =	shalt  }
0x4c: {  	_ =	shalt  }
0x4d: {  	_ =	shalt  }
0x4e: {  	_ =	shalt  }
0x4f: {  	_ =	shalt  }
0x50: {  	_ =	shalt  }
0x51: {  	_ =	shalt  }
0x52: {  	_ =	shalt  }
0x53: {  	_ =	shalt  }
0x54: {  	_ =	shalt  }
0x55: {  	_ =	shalt  }
0x56: {  	_ =	shalt  }
0x57: {  	_ =	shalt  }
0x58: {  	_ =	shalt  }
0x59: {  	_ =	shalt  }
0x5a: {  	_ =	shalt  }
0x5b: {  	_ =	shalt  }
0x5c: {  	_ =	shalt  }
0x5d: {  	_ =	shalt  }
0x5e: {  	_ =	shalt  }
0x5f: {  	_ =	shalt  }
0x60: {  	_ =	shalt  }
0x61: {  	_ =	shalt  }
0x62: {  	_ =	shalt  }
0x63: {  	_ =	shalt  }
0x64: {  	_ =	shalt  }
0x65: {  	_ =	shalt  }
0x66: {  	_ =	shalt  }
0x67: {  	_ =	shalt  }
0x68: {  	_ =	shalt  }
0x69: {  	_ =	shalt  }
0x6a: {  	_ =	shalt  }
0x6b: {  	_ =	shalt  }
0x6c: {  	_ =	shalt  }
0x6d: {  	_ =	shalt  }
0x6e: {  	_ =	shalt  }
0x6f: {  	_ =	shalt  }
0x70: {  	_ =	shalt  }
0x71: {  	_ =	shalt  }
0x72: {  	_ =	shalt  }
0x73: {  	_ =	shalt  }
0x74: {  	_ =	shalt  }
0x75: {  	_ =	shalt  }
0x76: {  	_ =	shalt  }
0x77: {  	_ =	shalt  }
0x78: {  	_ =	shalt  }
0x79: {  	_ =	shalt  }
0x7a: {  	_ =	shalt  }
0x7b: {  	_ =	shalt  }
0x7c: {  	_ =	shalt  }
0x7d: {  	_ =	shalt  }
0x7e: {  	_ =	shalt  }
0x7f: {  	_ =	shalt  }
0x80: {  	_ =	shalt  }
0x81: {  	_ =	shalt  }
0x82: {  	_ =	shalt  }
0x83: {  	_ =	shalt  }
0x84: {  	_ =	shalt  }
0x85: {  	_ =	shalt  }
0x86: {  	_ =	shalt  }
0x87: {  	_ =	shalt  }
.Lfunc_end0:
.L_simem_size_0:
called_computation_lowered:
.L_overlay_start_0:
0x88: {  	s2 =	sld [smem:$0x3FD9]  }
0x89: {  	s3 =	sld [smem:$0x3FFE];
	_ =	sdelay $0x1  }
0x8a: {  	s1 =	srdreg.scid  }
0x8b: {  	s0 =	sand.u32 $0x1, s1  }
0x8c: {  	s17 =	sshll.u32 s0, $0xA;
	s2 =	sadd.s32 s3, s2  }
0x8d: {  	s2 =	sadd.s32 s2, s17  }
0x8e: {  	[smem:$0x3FC4] =	sst s2  }
0x8f: {  	_ = 	snop  }
0x90: {  	s2 =	sld [smem:$0x3FD0];
	(tm) =	ssettm $0x1  }
0x91: {  	s18 =	sld [smem:$0x3FFB];
	_ =	sdelay $0x3  }
0x92: {  	_ =	strace s18  }
0x93: {  	s3 =	sld [smem:$0x3FFC];
	_ =	sdelay $0x3  }
0x94: {  	_ =	strace s3  }
0x95: {  	s3 =	sld [smem:$0x3FFD];
	_ =	sdelay $0x3  }
0x96: {  	_ =	strace s3  }
0x97: {  	_ =	strace $0x8FFFFFFF  }
0x98: {  	s19 =	sld [smem:$0x3FDB];
	_ =	sdelay $0x1  }
0x99: {  	s4 =	simm.s32 $_scs_section_size  }
0x9a: {  	s5 =	simm.s32 $_size__tile_overlayer_lowered;
	s6 =	simm.s32 $_tile_overlayer_lowered  }
0x9b: {  	s22 =	simm.s32 $0x1BFF;
	s21 =	sshll.u32 s6, $0x1;
	s3 =	sadd.s32 s4, s19  }
0x9c: {  	s7 =	simm.s32 $0x0;
	s20 =	sshll.u32 s5, $0x1;
	s5 =	sadd.s32 s21, s3  }
0x9d: {  	[timem:s7], [sflag:s22] =	dma.local [hbm:s5], s20  }
0x9e: {  	_ =	swait.ge [sflag:s22], s20  }
0x9f: {  	s4 =	ssub.s32 $0x0, s20;
	[sflag:s22] =	ssyncset.done $0x0  }
0xa0: {  	[sflag:s22] =	ssyncadd.s32 s4;
	_ =	sdelay $0x1  }
0xa1: {  	s23 =	simm.s32 $0x1B8B  }
0xa2: {  	_ =	swait.ge [sflag:s23], $0x1  }
0xa3: {  	[sflag:s23] =	ssyncset.done $0x0  }
0xa4: {  	s25 =	simm.s32 $0x1B8E;
	s24 =	sld [smem:$0x3FFE];
	[sflag:s23] =	ssyncadd.s32 $0xFFFFFFFF  }
0xa5: {  	s26 =	simm.s32 $execute0_lowered;
	[smem:$0x3FD2] =	sst s25  }
0xa6: {  	s5 =	sshll.u32 s26, $0x1;
	_ =	strace $0x80000046;
	[dreg:$0x1] =	wrdreg $0xFFFFFFFF  }
0xa7: {  	s28 =	simm.s32 $_size_execute0_lowered;
	s3 =	sadd.s32 s3, s5;
	[dreg:$0x0] =	wrdreg $0x0  }
0xa8: {  	s5 =	sshll.u32 s28, $0x1;
	[dreg:$0x2] =	wrdreg s3  }
0xa9: {  	[dreg:$0x3] =	wrdreg s5  }
0xaa: {  	[dreg:$0x4] =	wrdreg $0xC0  }
0xab: {  	_ =	task [dreg:s7], $0x5FFFF  }
0xac: {  	[dreg:$0x1] =	wrdreg $0xFFFFFFFF  }
0xad: {  	[dreg:$0x0] =	wrdreg $0x60  }
0xae: {  	[dreg:$0x2] =	wrdreg s2  }
0xaf: {  	[dreg:$0x3] =	wrdreg s24  }
0xb0: {  	[dreg:$0x4] =	wrdreg $0x0  }
0xb1: {  	[dreg:$0x5] =	wrdreg $0x9  }
0xb2: {  	_ =	task.clear_ibuf [dreg:s7], $0x6FFFF;
	_ =	strace $0x90000046  }
0xb3: {  	s29 =	simm.s32 $0x9;
	_ =	strace $0x80000048  }
0xb4: {  	_ =	swait.ge [sflag:s29], $0x1  }
0xb5: {  	[sflag:s29] =	ssyncadd.s32 $0xFFFFFFFF  }
0xb6: {  	_ =	strace $0x90000048  }
0xb7: {  	_ =	sfence  }
0xb8: {  	s30 =	sld [smem:$0x0];
	_ =	sdelay $0x2  }
0xb9: {  	s31 =	sshll.u32 s1, $0xD;
	s1 =	sshrl.u32 s1, $0x2  }
0xba: {  	s3 =	sand.u32 $0x4000, s31;
	s1 =	sadd.s32 s1, s30  }
0xbb: {  	s0 =	sor.u32 s3, s0;
	s1 =	sshll.u32 s1, $0x11  }
0xbc: {  	s0 =	sor.u32 s1, s0  }
0xbd: {  	s0 =	sadd.s32 $0x8F2B, s0  }
0xbe: {  	[sflag:s0] =	ssyncadd.remote.s32 $0x1  }
0xbf: {  	_ =	sfence.sel $0xFFFF  }
0xc0: {  	[dreg:$0x0] =	wrdreg $0xFFFFFFFF;
	(pc) =	sbr.abs _section_cstart, $3  }
0xc1: {  	[dreg:$0x1] =	wrdreg $0xFFFFFFFF  }
0xc2: {  	_ =	task.clear_ibuf [dreg:s7], $0x2FFFF;
	_ =	strace $0x9FFFFFFF  }
0xc3: {  	(tm) =	ssettm $0x7FFFFFFF  }
tec
execute0_lowered:
.L_overlay_start_1:
0x0: {  	(tag) =	ssettag $0x1  }
0x1: {  	s1 =	rddreg [dreg:$0x0]  }
0x2: {  	s0 =	rddreg [dreg:$0x1];
	s2 =	srdreg.scid  }
0x3: {  	s16 =	stileid.u32;
	s3 =	rddreg [dreg:$0x2];
	s14 =	simm.s32 $0x1D000  }
0x4: {  	s15 =	simm.s32 $0x3;
	s19 =	simm.s32 $0x13880;
	s20 =	simm.s32 $0x14880  }
0x5: {  	s21 =	simm.s32 $0x50;
	s22 =	simm.s32 $0x18000;
	s23 =	simm.s32 $0x1  }
0x6: {  	s24 =	simm.s32 $0x1A800;
	s25 =	simm.s32 $0x2;
	s26 =	simm.s32 $0x15480  }
0x7: {  	s28 =	simm.s32 $0x0;
	s2 =	sand.u32 $0x1, s2;
	s8 =	smul.u32 $0x4E000, s16  }
0x8: {  	s4 =	sshll.u32 s16, $0x1;
	s5 =	sshrl.u32 s16, $0x2;
	s12 =	smul.u32 $0x13800, s16  }
0x9: {  	p0 =	sne.s32 s16, $0xF;
	s9 =	sor.u32 s2, s4;
	s4 =	simm.s32 $0x0  }
0xa: {  	s6 =	smul.u32 $0x13C00, s5;
	s5 =	sadd.s32 $0x1EA00, s0;
	s30 =	ssub.s32 $0x2, s2  }
0xb: {  	s2 =	smul.u32 $0x138800, s2;
	s29 =	sshll.u32 s9, $0x7;
	[smem:$0x7FF] =	sst s4  }
0xc: {  	s11 =	sshrl.u32 s30, $0x1;
	s8 =	sshrl.u32 s8, $0x2;
	s7 =	sand.u32 $0x380, s29  }
0xd: {  	_ =	strace $0x80000047;
	s11 =	ssub.s32 s30, s11;
	s7 =	sor.u32 s6, s7  }
0xe: {  	s12 =	sadd.s32 s12, s2;
	s2 =	sshrl.u32 s2, $0x3;
	s7 =	sshrl.u32 s7, $0x3  }
0xf: {  	s6 =	sadd.s32 $0xAA00, s0;
	s12 =	sshrl.u32 s12, $0x3;
	s10 =	sadd.s32 s7, s0  }
0x10: {  	s13 =	smax.u32 s11, $0x1;
	s0 =	sadd.s32 $0x32A00, s0;
	s10 =	sadd.s32 $0xC00, s10  }
0x11: {  	s2 =	sadd.s32 s0, s2;
	s0 =	sadd.s32 s0, s12;
	[dreg:$0x4] =	wrdreg s10  }
0x12: {  	s7 =	sadd.s32 s8, s3;
	[dreg:$0x5] =	wrdreg s0;
	s31 =	sadd.s32 $0x27000, s2  }
0x13: {  	v0 =	vimm.f32 $0.0e+00;
	s8 =	sadd.s32 $0x138000, s3;
	s10 =	smul.u32 $0x5000, s9;
	[dreg:$0x6] =	wrdreg s31  }
.LBB2_1:
0x14: {  	s0 =	simm.s32 $0x0;
	s2 =	simm.s32 $0x200  }
.LBB2_2:
0x15: {  	p1 =	sne.s32 s2, $0x1E00;
	[tilespmem:s0+$0x1D070] =	vst v0  }
0x16: {  	[tilespmem:s0+$0x1D000] =	vst v0  }
0x17: {  	[tilespmem:s0+$0x1D010] =	vst v0  }
.Ltmp0:
0x18: {  	[tilespmem:s0+$0x1D020] =	vst v0;
	(pc) =	sbr.rel @p1 .LBB2_2-.Ltmp0, $4  }
0x19: {  	[tilespmem:s0+$0x1D030] =	vst v0  }
0x1a: {  	[tilespmem:s0+$0x1D040] =	vst v0  }
0x1b: {  	[tilespmem:s0+$0x1D050] =	vst v0  }
0x1c: {  	[tilespmem:s0+$0x1D060] =	vst v0;
	s0 =	sshra.s32 s2, $0x2;
	s2 =	sadd.s32 $0x200, s2  }
0x1d: {  	[tilespmem:s0+$0x1D070] =	vst v0  }
0x1e: {  	[tilespmem:s0+$0x1D000] =	vst v0  }
0x1f: {  	[tilespmem:s0+$0x1D010] =	vst v0  }
0x20: {  	[tilespmem:s0+$0x1D020] =	vst v0  }
0x21: {  	[tilespmem:s0+$0x1D030] =	vst v0  }
0x22: {  	[tilespmem:s0+$0x1D040] =	vst v0  }
0x23: {  	[tilespmem:s0+$0x1D050] =	vst v0  }
0x24: {  	[tilespmem:s0+$0x1D060] =	vst v0;
	s31 =	sadd.s32 $0x0, s7  }
0x25: {  	[spmem:s31] =	stream.linear.scatter [tilespmem:s14], [sflag:$0x3], $0x800, $0x38;
	[tilespmem:$0x1D800] =	vst v63  }
0x26: {  	s0 =	simm.s32 $0x2000;
	_ =	swait.ge [sflag:s15], $0x800  }
.LBB2_4:
0x27: {  	s2 =	sshra.s32 s0, $0x2;
	[sflag:s15] =	ssyncset.done $0x0;
	p1 =	sne.s32 s0, $0x4C000  }
.Ltmp1:
0x28: {  	s2 =	sadd.s32 s2, s7;
	[sflag:s15] =	ssyncadd.s32 $0xFFFFF800;
	(pc) =	sbr.rel @p1 .LBB2_4-.Ltmp1, $3  }
0x29: {  	[spmem:s2] =	stream.linear.scatter [tilespmem:s14], [sflag:$0x3], $0x800, $0x38;
	[tilespmem:$0x1D800] =	vst v63  }
0x2a: {  	s0 =	sadd.s32 $0x2000, s0;
	_ =	sdelay $0x1  }
0x2b: {  	_ =	swait.ge [sflag:s15], $0x800  }
0x2c: {  	[sflag:s15] =	ssyncset.done $0x0  }
0x2d: {  	s0 =	simm.s32 @!p0 $0x1D000;
	[sflag:s15] =	ssyncadd.s32 $0xFFFFF800  }
0x2e: {  	[spmem:s8] =	stream.linear.scatter @!p0 [tilespmem:s0], [sflag:$0x3], $0x800, $0x38;
	[tilespmem:$0x1D800] =	vst v63  }
0x2f: {  	s0 =	simm.s32 @!p0 $0x3  }
0x30: {  	_ =	swait.ge @!p0 [sflag:s0], $0x800  }
0x31: {  	[sflag:s0] =	ssyncset.done @!p0 $0x0  }
0x32: {  	[sflag:s0] =	ssyncadd.s32 @!p0 $0xFFFFF800  }
0x33: {  	s2 =	simm.s32 $0x80;
	[bflag:$0x0] =	sbarrier.arrive $0xFFFF  }
0x34: {  	s9 =	simm.s32 $0x400;
	s11 =	simm.s32 $0x15880;
	s31 =	rddreg [dreg:$0x4]  }
0x35: {  	[tilespmem:s11], [sflag:$0x3] =	stream.strided.gather [hbm4b:s31+s2], $0x2780, s9, s2, $0x38;
	[tilespmem:$0x1D800] =	vst v63  }
0x36: {  	_ =	swait.ge [sflag:s15], $0x2780  }
0x37: {  	[sflag:s15] =	ssyncset.done $0x0  }
0x38: {  	s29 =	simm.s32 $0x0;
	[sflag:s15] =	ssyncadd.s32 $0xFFFFD880  }
.LBB2_6:
0x39: {  	s0 =	sshll.u32 s29, $0xC  }
0x3a: {  	s0 =	sadd.s32 s10, s0  }
0x3b: {  	s0 =	sshrl.u32 s0, $0x3  }
0x3c: {  	s2 =	sadd.s32 s5, s0  }
0x3d: {  	[tilespmem:s19], [sflag:$0x3] =	stream.linear.gather [hbm4b:s2+s28], $0xC80, $0x38;
	[tilespmem:$0x1D800] =	vst v63  }
0x3e: {  	_ =	swait.ge [sflag:s15], $0xC80  }
0x3f: {  	[sflag:s15] =	ssyncset.done $0x0  }
0x40: {  	s0 =	sadd.s32 s6, s0;
	[sflag:s15] =	ssyncadd.s32 $0xFFFFF380  }
0x41: {  	[tilespmem:s20], [sflag:$0x3] =	stream.linear.gather [hbm4b:s0+s28], $0xC80, $0x38;
	[tilespmem:$0x1D800] =	vst v63  }
0x42: {  	_ =	swait.ge [sflag:s15], $0xC80  }
0x43: {  	[sflag:s15] =	ssyncset.done $0x0  }
0x44: {  	[sflag:s15] =	ssyncadd.s32 $0xFFFFF380  }
0x45: {  	[tilespmem:s22], [sflag:$0x1] =	stream.indirect.gather [hbm4b:s1+s21], $0x80, s19, s21, $0xb8;
	[tilespmem:$0x1D800] =	vst v63  }
0x46: {  	_ =	swait.ge [sflag:s23], $0x2800  }
0x47: {  	[sflag:s23] =	ssyncset.done $0x0  }
0x48: {  	s30 =	smul.u32 $0x19, s29;
	s31 =	simm.s32 $0x0;
	[sflag:s23] =	ssyncadd.s32 $0xFFFFD800  }
.LBB2_7:
0x49: {  	s0 =	sshll.u32 s31, $0x1;
	s16 =	sshllo.u32 s31, $0x1  }
0x4a: {  	s2 =	sshll.u32 s16, $0x7;
	s0 =	sadd.s32 s30, s0  }
0x4b: {  	s9 =	sadd.s32 $0x13880, s2;
	s0 =	smul.u32 $0x140, s0  }
0x4c: {  	[tilespmem:s24], [sflag:$0x2] =	stream.indirect.gather [hbm4b:s1+s21], $0x80, s9, s21, $0xb8;
	[tilespmem:$0x1D800] =	vst v63  }
0x4d: {  	s0 =	sshra.s32 s0, $0x2  }
0x4e: {  	s0 =	sadd.s32 $0x15880, s0  }
0x4f: {  	s17 =	simm.s32 $0x0;
	s12 =	simm.s32 $0x18040;
	v1 =	vmov s0;
	s0 =	simm.s32 $0x0  }
.LBB2_8:
0x50: {  	_ =	sdelay $0x2  }
0x51: {  	s9 =	sshll.u32 s0, $0x4  }
0x52: {  	v3 =	vld.idx.msk [tilespmem:v1+s9+$0x0 ss:$0x1], $0xffff;
	_ =	sdelay $0x1  }
0x53: {  	v7 =	vld [tilespmem:s12+$0xFFFFFFC0]  }
0x54: {  	v9 =	vld [tilespmem:s12+$0xFFFFFFD0]  }
0x55: {  	v8 =	vld [tilespmem:s12+$0xFFFFFFE0];
	v2 =	vmov s17  }
0x56: {  	v5 =	vld [tilespmem:s12+$0x0];
	v2 =	vperm.xlane v3, v2  }
0x57: {  	v6 =	vld [tilespmem:s12+$0x10]  }
0x58: {  	v4 =	vld [tilespmem:s12+$0x20];
	v10 =	vmul.f32 v7, v2  }
0x59: {  	s11 =	simm.s32 $0x1;
	s18 =	smov.u32 s12;
	s9 =	smov.u32 s12;
	v9 =	vmul.f32 v9, v2;
	v7 =	vld [tilespmem:s12+$0x30]  }
.LBB2_9:
0x5a: {  	p1 =	sne.s32 s11, $0xF;
	[tilespmem:s18+$0xFFFFFFC0] =	vst v10;
	v8 =	vmul.f32 v8, v2;
	v10 =	vld [tilespmem:s18+$0xFFFFFFF0];
	s9 =	sadd.s32 $0x80, s9  }
0x5b: {  	v11 =	vld [tilespmem:s9+$0xFFFFFFC0];
	[tilespmem:s18+$0xFFFFFFD0] =	vst v9;
	v5 =	vmul.f32 v5, v2  }
0x5c: {  	v9 =	vld [tilespmem:s9+$0xFFFFFFD0];
	[tilespmem:s18+$0xFFFFFFE0] =	vst v8;
	v6 =	vmul.f32 v6, v2  }
.Ltmp2:
0x5d: {  	v12 =	vmov s11;
	v8 =	vld [tilespmem:s9+$0xFFFFFFE0];
	[tilespmem:s18+$0x0] =	vst v5;
	v4 =	vmul.f32 v4, v2;
	(pc) =	sbr.rel @p1 .LBB2_9-.Ltmp2, $4  }
0x5e: {  	v12 =	vperm.xlane v3, v12;
	v5 =	vld [tilespmem:s9+$0x0];
	[tilespmem:s18+$0x10] =	vst v6;
	v7 =	vmul.f32 v7, v2  }
0x5f: {  	v6 =	vld [tilespmem:s9+$0x10];
	v13 =	vmul.f32 v10, v2;
	[tilespmem:s18+$0x20] =	vst v4  }
0x60: {  	v2 =	vmov v12;
	v10 =	vmul.f32 v11, v12;
	v4 =	vld [tilespmem:s9+$0x20];
	[tilespmem:s18+$0x30] =	vst v7  }
0x61: {  	s11 =	sadd.s32 $0x1, s11;
	v9 =	vmul.f32 v9, v2;
	v7 =	vld [tilespmem:s9+$0x30];
	[tilespmem:s18+$0xFFFFFFF0] =	vst v13;
	s18 =	smov.u32 s9  }
0x62: {  	[tilespmem:s18+$0xFFFFFFC0] =	vst v10;
	v3 =	vmul.f32 v8, v2;
	v63 =	vld [tilespmem:s18+$0xFFFFFFF0]  }
0x63: {  	s0 =	sadd.s32 $0x1, s0;
	[tilespmem:s18+$0xFFFFFFD0] =	vst v9;
	v5 =	vmul.f32 v5, v2  }
0x64: {  	p1 =	sne.s32 s0, $0x5;
	[tilespmem:s18+$0xFFFFFFE0] =	vst v3;
	v3 =	vmul.f32 v6, v2  }
.Ltmp3:
0x65: {  	[tilespmem:s18+$0x0] =	vst v5;
	v4 =	vmul.f32 v4, v2;
	(pc) =	sbr.rel @p1 .LBB2_8-.Ltmp3, $4  }
0x66: {  	[tilespmem:s18+$0x10] =	vst v3;
	v3 =	vmul.f32 v7, v2  }
0x67: {  	v2 =	vmul.f32 v63, v2;
	[tilespmem:s18+$0x20] =	vst v4  }
0x68: {  	[tilespmem:s18+$0x30] =	vst v3  }
0x69: {  	s12 =	sadd.s32 $0x800, s12;
	[tilespmem:s18+$0xFFFFFFF0] =	vst v2  }
0x6a: {  	_ =	swait.ge [sflag:s25], $0x2800;
	s0 =	sshll.u32 s31, $0x8  }
0x6b: {  	[sflag:s25] =	ssyncset.done $0x0;
	s0 =	sand.u32 $0x3FFFFF00, s0  }
0x6c: {  	s17 =	sadd.s32 s30, s16;
	[sflag:s25] =	ssyncadd.s32 $0xFFFFD800;
	s9 =	sadd.s32 $0x14880, s0  }
0x6d: {  	[spmem:s3] =	stream.indirect.scatter.add.f32 [tilespmem:s22], [sflag:$0x3], $0x80, s9, s21, $0xb8;
	[tilespmem:$0x1D800] =	vst v63  }
0x6e: {  	s9 =	smul.u32 $0x140, s17;
	_ =	swait.ge [sflag:s15], $0x2800  }
0x6f: {  	[sflag:s15] =	ssyncset.done $0x0  }
0x70: {  	s0 =	sadd.s32 $0x13980, s0;
	s18 =	sshra.s32 s9, $0x2;
	[sflag:s15] =	ssyncadd.s32 $0xFFFFD800  }
0x71: {  	[tilespmem:s22], [sflag:$0x1] =	stream.indirect.gather [hbm4b:s1+s21], $0x80, s0, s21, $0xb8;
	[tilespmem:$0x1D800] =	vst v63  }
0x72: {  	s0 =	sadd.s32 $0x15880, s18  }
0x73: {  	s16 =	simm.s32 $0x0;
	s17 =	simm.s32 $0x1A840;
	v1 =	vmov s0;
	s0 =	simm.s32 $0x0  }
.LBB2_12:
0x74: {  	_ =	sdelay $0x2  }
0x75: {  	s9 =	sshll.u32 s0, $0x4  }
0x76: {  	v3 =	vld.idx.msk [tilespmem:v1+s9+$0x0 ss:$0x1], $0xffff;
	_ =	sdelay $0x1  }
0x77: {  	v7 =	vld [tilespmem:s17+$0xFFFFFFC0]  }
0x78: {  	v9 =	vld [tilespmem:s17+$0xFFFFFFD0]  }
0x79: {  	v8 =	vld [tilespmem:s17+$0xFFFFFFE0];
	v2 =	vmov s16  }
0x7a: {  	v5 =	vld [tilespmem:s17+$0x0];
	v2 =	vperm.xlane v3, v2  }
0x7b: {  	v6 =	vld [tilespmem:s17+$0x10]  }
0x7c: {  	v4 =	vld [tilespmem:s17+$0x20];
	v10 =	vmul.f32 v7, v2  }
0x7d: {  	s11 =	simm.s32 $0x1;
	s12 =	smov.u32 s17;
	s9 =	smov.u32 s17;
	v9 =	vmul.f32 v9, v2;
	v7 =	vld [tilespmem:s17+$0x30]  }
.LBB2_13:
0x7e: {  	p1 =	sne.s32 s11, $0xF;
	[tilespmem:s9+$0xFFFFFFC0] =	vst v10;
	v8 =	vmul.f32 v8, v2;
	v10 =	vld [tilespmem:s9+$0xFFFFFFF0];
	s12 =	sadd.s32 $0x80, s12  }
0x7f: {  	v11 =	vld [tilespmem:s12+$0xFFFFFFC0];
	[tilespmem:s9+$0xFFFFFFD0] =	vst v9;
	v5 =	vmul.f32 v5, v2  }
0x80: {  	v9 =	vld [tilespmem:s12+$0xFFFFFFD0];
	[tilespmem:s9+$0xFFFFFFE0] =	vst v8;
	v6 =	vmul.f32 v6, v2  }
.Ltmp4:
0x81: {  	v12 =	vmov s11;
	v8 =	vld [tilespmem:s12+$0xFFFFFFE0];
	[tilespmem:s9+$0x0] =	vst v5;
	v4 =	vmul.f32 v4, v2;
	(pc) =	sbr.rel @p1 .LBB2_13-.Ltmp4, $4  }
0x82: {  	v12 =	vperm.xlane v3, v12;
	v5 =	vld [tilespmem:s12+$0x0];
	[tilespmem:s9+$0x10] =	vst v6;
	v7 =	vmul.f32 v7, v2  }
0x83: {  	v6 =	vld [tilespmem:s12+$0x10];
	v13 =	vmul.f32 v10, v2;
	[tilespmem:s9+$0x20] =	vst v4  }
0x84: {  	v2 =	vmov v12;
	v10 =	vmul.f32 v11, v12;
	v4 =	vld [tilespmem:s12+$0x20];
	[tilespmem:s9+$0x30] =	vst v7  }
0x85: {  	s11 =	sadd.s32 $0x1, s11;
	v9 =	vmul.f32 v9, v2;
	v7 =	vld [tilespmem:s12+$0x30];
	[tilespmem:s9+$0xFFFFFFF0] =	vst v13;
	s9 =	smov.u32 s12  }
0x86: {  	[tilespmem:s9+$0xFFFFFFC0] =	vst v10;
	v3 =	vmul.f32 v8, v2;
	v63 =	vld [tilespmem:s9+$0xFFFFFFF0]  }
0x87: {  	s0 =	sadd.s32 $0x1, s0;
	[tilespmem:s9+$0xFFFFFFD0] =	vst v9;
	v5 =	vmul.f32 v5, v2  }
0x88: {  	p1 =	sne.s32 s0, $0x5;
	[tilespmem:s9+$0xFFFFFFE0] =	vst v3;
	v3 =	vmul.f32 v6, v2  }
.Ltmp5:
0x89: {  	[tilespmem:s9+$0x0] =	vst v5;
	v4 =	vmul.f32 v4, v2;
	(pc) =	sbr.rel @p1 .LBB2_12-.Ltmp5, $4  }
0x8a: {  	[tilespmem:s9+$0x10] =	vst v3;
	v3 =	vmul.f32 v7, v2  }
0x8b: {  	v2 =	vmul.f32 v63, v2;
	[tilespmem:s9+$0x20] =	vst v4  }
0x8c: {  	[tilespmem:s9+$0x30] =	vst v3  }
0x8d: {  	s17 =	sadd.s32 $0x800, s17;
	[tilespmem:s9+$0xFFFFFFF0] =	vst v2  }
0x8e: {  	_ =	swait.ge [sflag:s23], $0x2800;
	s31 =	sadd.s32 $0x1, s31  }
0x8f: {  	[sflag:s23] =	ssyncset.done $0x0;
	p1 =	seq.s32 s31, $0xC  }
.Ltmp6:
0x90: {  	s0 =	sadd.s32 $0x14880, s2;
	[sflag:s23] =	ssyncadd.s32 $0xFFFFD800;
	(pc) =	sbr.rel @!p1 .LBB2_7-.Ltmp6, $4  }
0x91: {  	[spmem:s3] =	stream.indirect.scatter.add.f32 [tilespmem:s24], [sflag:$0x3], $0x80, s0, s21, $0xb8;
	[tilespmem:$0x1D800] =	vst v63  }
0x92: {  	_ =	swait.ge [sflag:s15], $0x2800  }
0x93: {  	[sflag:s15] =	ssyncset.done $0x0  }
0x94: {  	[sflag:s15] =	ssyncadd.s32 $0xFFFFD800  }
0x95: {  	s0 =	smul.u32 $0x1F40, s29;
	_ =	sdelay $0x1  }
0x96: {  	s0 =	sshra.s32 s0, $0x2  }
0x97: {  	s0 =	sadd.s32 $0x16000, s0  }
0x98: {  	s2 =	simm.s32 $0x0;
	s16 =	simm.s32 $0x18040;
	s17 =	simm.s32 $0x0;
	v1 =	vmov s0  }
.LBB2_17:
0x99: {  	_ =	sdelay $0x2  }
0x9a: {  	s0 =	sshll.u32 s17, $0x4  }
0x9b: {  	v3 =	vld.idx.msk [tilespmem:v1+s0+$0x0 ss:$0x1], $0xffff;
	_ =	sdelay $0x1  }
0x9c: {  	v7 =	vld [tilespmem:s16+$0xFFFFFFC0]  }
0x9d: {  	v9 =	vld [tilespmem:s16+$0xFFFFFFD0]  }
0x9e: {  	v8 =	vld [tilespmem:s16+$0xFFFFFFE0];
	v2 =	vmov s2  }
0x9f: {  	v5 =	vld [tilespmem:s16+$0x0];
	v2 =	vperm.xlane v3, v2  }
0xa0: {  	v6 =	vld [tilespmem:s16+$0x10]  }
0xa1: {  	v4 =	vld [tilespmem:s16+$0x20];
	v10 =	vmul.f32 v7, v2  }
0xa2: {  	s9 =	simm.s32 $0x1;
	s11 =	smov.u32 s16;
	s0 =	smov.u32 s16;
	v9 =	vmul.f32 v9, v2;
	v7 =	vld [tilespmem:s16+$0x30]  }
.LBB2_18:
0xa3: {  	p1 =	sne.s32 s9, $0xF;
	[tilespmem:s0+$0xFFFFFFC0] =	vst v10;
	v8 =	vmul.f32 v8, v2;
	v10 =	vld [tilespmem:s0+$0xFFFFFFF0];
	s11 =	sadd.s32 $0x80, s11  }
0xa4: {  	v11 =	vld [tilespmem:s11+$0xFFFFFFC0];
	[tilespmem:s0+$0xFFFFFFD0] =	vst v9;
	v5 =	vmul.f32 v5, v2  }
0xa5: {  	v9 =	vld [tilespmem:s11+$0xFFFFFFD0];
	[tilespmem:s0+$0xFFFFFFE0] =	vst v8;
	v6 =	vmul.f32 v6, v2  }
.Ltmp7:
0xa6: {  	v12 =	vmov s9;
	v8 =	vld [tilespmem:s11+$0xFFFFFFE0];
	[tilespmem:s0+$0x0] =	vst v5;
	v4 =	vmul.f32 v4, v2;
	(pc) =	sbr.rel @p1 .LBB2_18-.Ltmp7, $4  }
0xa7: {  	v12 =	vperm.xlane v3, v12;
	v5 =	vld [tilespmem:s11+$0x0];
	[tilespmem:s0+$0x10] =	vst v6;
	v7 =	vmul.f32 v7, v2  }
0xa8: {  	v6 =	vld [tilespmem:s11+$0x10];
	v13 =	vmul.f32 v10, v2;
	[tilespmem:s0+$0x20] =	vst v4  }
0xa9: {  	v2 =	vmov v12;
	v10 =	vmul.f32 v11, v12;
	v4 =	vld [tilespmem:s11+$0x20];
	[tilespmem:s0+$0x30] =	vst v7  }
0xaa: {  	s9 =	sadd.s32 $0x1, s9;
	v9 =	vmul.f32 v9, v2;
	v7 =	vld [tilespmem:s11+$0x30];
	[tilespmem:s0+$0xFFFFFFF0] =	vst v13;
	s0 =	smov.u32 s11  }
0xab: {  	[tilespmem:s0+$0xFFFFFFC0] =	vst v10;
	v3 =	vmul.f32 v8, v2;
	v63 =	vld [tilespmem:s0+$0xFFFFFFF0]  }
0xac: {  	s17 =	sadd.s32 $0x1, s17;
	[tilespmem:s0+$0xFFFFFFD0] =	vst v9;
	v5 =	vmul.f32 v5, v2  }
0xad: {  	p1 =	sne.s32 s17, $0x5;
	[tilespmem:s0+$0xFFFFFFE0] =	vst v3;
	v3 =	vmul.f32 v6, v2  }
.Ltmp8:
0xae: {  	[tilespmem:s0+$0x0] =	vst v5;
	v4 =	vmul.f32 v4, v2;
	(pc) =	sbr.rel @p1 .LBB2_17-.Ltmp8, $4  }
0xaf: {  	[tilespmem:s0+$0x10] =	vst v3;
	v3 =	vmul.f32 v7, v2  }
0xb0: {  	v2 =	vmul.f32 v63, v2;
	[tilespmem:s0+$0x20] =	vst v4  }
0xb1: {  	[tilespmem:s0+$0x30] =	vst v3  }
0xb2: {  	s16 =	sadd.s32 $0x800, s16;
	[tilespmem:s0+$0xFFFFFFF0] =	vst v2  }
0xb3: {  	s29 =	sadd.s32 $0x1, s29  }
0xb4: {  	p1 =	sne.s32 s29, $0x5  }
.Ltmp9:
0xb5: {  	_ = 	snop;
	(pc) =	sbr.rel @p1 .LBB2_6-.Ltmp9, $4  }
0xb6: {  	[spmem:s3] =	stream.indirect.scatter.add.f32 [tilespmem:s22], [sflag:$0x3], $0x80, s26, s21, $0xb8;
	[tilespmem:$0x1D800] =	vst v63  }
0xb7: {  	_ =	swait.ge [sflag:s15], $0x2800  }
0xb8: {  	[sflag:s15] =	ssyncset.done $0x0  }
0xb9: {  	[sflag:s15] =	ssyncadd.s32 $0xFFFFD800  }
0xba: {  	s0 =	stileid.u32  }
0xbb: {  	[bflag:$0x0] =	sbarrier.arrive $0xFFFF;
	s0 =	sshll.u32 s0, $0x6  }
0xbc: {  	s2 =	sshrl.u32 s7, $0x3;
	s9 =	rddreg [dreg:$0x5];
	s0 =	sor.u32 $0x1C03, s0  }
0xbd: {  	[hbm:s9], [sflag:s0] =	dma.local [spmem:s2], $0x2700  }
0xbe: {  	s4 =	sadd.s32 $0x1, s4;
	_ =	swait.ge [sflag:s15], $0x2700  }
0xbf: {  	p1 =	sne.s32 s4, s13;
	[sflag:s15] =	ssyncset.done $0x0  }
0xc0: {  	s2 =	sshrl.u32 @!p0 s8, $0x3;
	s9 =	rddreg [dreg:$0x6];
	[sflag:s15] =	ssyncadd.s32 $0xFFFFD900  }
0xc1: {  	[hbm:s9], [sflag:s0] =	dma.local @!p0 [spmem:s2], $0x100  }
.Ltmp10:
0xc2: {  	_ = 	snop;
	(pc) =	sbr.rel @p1 .LBB2_1-.Ltmp10, $4  }
0xc3: {  	s0 =	simm.s32 @!p0 $0x3  }
0xc4: {  	_ =	swait.ge @!p0 [sflag:s0], $0x100  }
0xc5: {  	[sflag:s0] =	ssyncset.done @!p0 $0x0  }
0xc6: {  	[sflag:s0] =	ssyncadd.s32 @!p0 $0xFFFFFF00  }
0xc7: {  	_ =	sfence.sel $0x180000  }
0xc8: {  	[bflag:$0x0] =	sbarrier.arrive $0xFFFF  }
0xc9: {  	_ =	strace $0x90000047  }
0xca: {  	s0 =	stileid.u32;
	[bflag:$0x2] =	sbarrier.arrive $0xFFFF  }
0xcb: {  	p0 =	sne.s32 s0, $0x0;
	s0 =	rddreg [dreg:$0x3]  }
0xcc: {  	s0 =	sadd.s32 @!p0 $0x100000, s0  }
0xcd: {  	[sflag:s0] =	ssyncadd.tile.s32 @!p0 $0x1;
	_ =	shalt  }
.Lfunc_end2:
_tile_overlayer_lowered:
.L_overlay_start_2:
0xce: {  	(tag) =	ssettag $0x2  }
0xcf: {  	s0 =	rddreg [dreg:$0x0];
	s2 =	stileid.u32  }
0xd0: {  	s1 =	rddreg [dreg:$0x1];
	p0 =	sne.s32 s2, $0x0  }
0xd1: {  	s3 =	rddreg [dreg:$0x2];
	[bflag:$0x3] =	sbarrier.arrive $0xFFFF;
	s2 =	simm.s32 @!p0 $0x1C03  }
0xd2: {  	[timem:s3], [sflag:s2] =	dma.local @!p0 [hbm:s0], s1  }
0xd3: {  	s0 =	simm.s32 @!p0 $0x3  }
0xd4: {  	_ =	swait.ge @!p0 [sflag:s0], s1  }
0xd5: {  	s1 =	ssub.s32 @!p0 $0x0, s1;
	[sflag:s0] =	ssyncset.done @!p0 $0x0  }
0xd6: {  	[sflag:s0] =	ssyncadd.s32 @!p0 s1  }
0xd7: {  	[bflag:$0x3] =	sbarrier.arrive $0xFFFF  }
0xd8: {  	_ =	shalt  }

</sc_bundles>
